<compile_context>
chip_gen: v7x
topology: tpu7x:2x2x1
jax: 0.10.2.dev20260603
libtpu: 0.0.44.dev20260713+nightly
codegen_flags: <defaults>
</compile_context>

<pallas_src>
import functools

import jax
import jax.numpy as jnp
from jax import lax
from jax.experimental import pallas as pl
from jax.experimental.pallas import tpu as pltpu
from jax.experimental.pallas import tpu_sc as plsc

_G = 512
_GP = 528
_NW = 32
_R = 200



def _score_body(x_ref, w1_ref, b1_ref, w2_ref, b2_ref, e_ref):
    xb = x_ref[...]
    h = jnp.tanh(
        jnp.dot(xb, w1_ref[...], preferred_element_type=jnp.float32)
        + b1_ref[...]
    )
    s = jnp.dot(h, w2_ref[...], preferred_element_type=jnp.float32)
    bound = jnp.sum(jnp.abs(w2_ref[...])) + jnp.abs(b2_ref[0, 0])
    e = jnp.exp(s + (b2_ref[0, 0] - bound))
    e_ref[...] = jnp.broadcast_to(e, e_ref.shape)


def _scores16(x, W1, b1, W2, b2, tile_rows):
    n, d = x.shape
    dh = W1.shape[1]
    t = n // tile_rows
    return pl.pallas_call(
        _score_body,
        grid=(t,),
        in_specs=[
            pl.BlockSpec((tile_rows, d), lambda i: (i, 0)),
            pl.BlockSpec((d, dh), lambda i: (0, 0)),
            pl.BlockSpec((1, dh), lambda i: (0, 0)),
            pl.BlockSpec((dh, 1), lambda i: (0, 0)),
            pl.BlockSpec((1, 1), lambda i: (0, 0)),
        ],
        out_specs=pl.BlockSpec((tile_rows, 16), lambda i: (i, 0)),
        out_shape=jax.ShapeDtypeStruct((n, 16), jnp.float32),
    )(x, W1, b1.reshape(1, dh), W2, b2.reshape(1, 1))



def _make_sc_segsum(n, d):
    mesh = plsc.VectorSubcoreMesh(core_axis_name="c", subcore_axis_name="s",
                                  num_cores=2)
    nj = d // 16
    splits = [((w * n) // _NW) // 8 * 8 for w in range(_NW)] + [n]

    @functools.partial(
        pl.kernel, mesh=mesh,
        out_type=[
            jax.ShapeDtypeStruct((_NW, _GP * d), jnp.float32),
            jax.ShapeDtypeStruct((_NW, _GP * 16), jnp.float32),
        ],
        scratch_types=[
            pltpu.VMEM((_R * d,), jnp.float32),
            pltpu.VMEM((_R * 16,), jnp.float32),
            pltpu.VMEM((_R * 16,), jnp.int32),
            pltpu.VMEM((_GP * d,), jnp.float32),
            pltpu.VMEM((_GP * 16,), jnp.float32),
            pltpu.VMEM((256,), jnp.int32),
        ],
    )
    def segsum(x_hbm, e_hbm, b_hbm, gr_hbm, outa_hbm, outb_hbm,
               xbuf, ebuf, bbuf, acc, den, gbuf):
        cid = lax.axis_index("c")
        sid = lax.axis_index("s")
        wid = sid * 2 + cid

        pltpu.sync_copy(gr_hbm, gbuf)
        rinfo = gbuf[pl.ds(pl.multiple_of(8 * wid, 8), 16)]
        start = rinfo[0]
        length = rinfo[1]
        nchunks = (length + _R - 1) // _R
        z16 = jnp.zeros((16,), jnp.float32)

        def zero_a(i, carry):
            acc[pl.ds(pl.multiple_of(16 * i, 8), 16)] = z16
            return carry

        lax.fori_loop(0, _GP * d // 16, zero_a, 0)

        def zero_b(i, carry):
            den[pl.ds(pl.multiple_of(16 * i, 8), 16)] = z16
            return carry

        lax.fori_loop(0, _GP, zero_b, 0)

        def chunk_body(k, carry):
            row0_raw = start + k * _R
            row0 = pl.multiple_of(jnp.minimum(row0_raw, n - _R), 8)
            delta = row0_raw - row0
            rows = jnp.minimum(length - k * _R, _R)
            pltpu.sync_copy(x_hbm.at[pl.ds(pl.multiple_of(row0 * d, 8), _R * d)],
                            xbuf)
            pltpu.sync_copy(e_hbm.at[pl.ds(pl.multiple_of(row0 * 16, 8), _R * 16)],
                            ebuf)
            pltpu.sync_copy(b_hbm.at[pl.ds(pl.multiple_of(row0 * 16, 8), _R * 16)],
                            bbuf)

            def row_body(r0, carry2):
                r = r0 + delta
                ev = ebuf[pl.ds(pl.multiple_of(r * 16, 8), 16)]
                sv = bbuf[pl.ds(pl.multiple_of(r * 16, 8), 16)]
                seg = sv[0]
                for j in range(nj):
                    xv = xbuf[pl.ds(pl.multiple_of(r * d + j * 16, 8), 16)]
                    plsc.addupdate(
                        acc.at[pl.ds(pl.multiple_of(seg * d + j * 16, 8), 16)],
                        xv * ev)
                plsc.addupdate(den.at[pl.ds(pl.multiple_of(seg * 16, 8), 16)],
                               ev)
                return carry2

            lax.fori_loop(0, rows, row_body, 0)
            return carry

        lax.fori_loop(0, nchunks, chunk_body, 0)

        pltpu.sync_copy(acc, outa_hbm.at[wid])
        pltpu.sync_copy(den, outb_hbm.at[wid])

    return segsum, splits



def _combine_body(pa_ref, pb_ref, out_ref):
    num = jnp.sum(pa_ref[...], axis=0)
    den = jnp.sum(pb_ref[...], axis=0)[:, 0:1]
    out_ref[...] = num / jnp.where(den == 0.0, 1.0, den)


def _combine(pa, pb, d):
    outw = 64
    return pl.pallas_call(
        _combine_body,
        grid=(_G // outw,),
        in_specs=[
            pl.BlockSpec((_NW, outw, d), lambda b: (0, b, 0)),
            pl.BlockSpec((_NW, outw, 16), lambda b: (0, b, 0)),
        ],
        out_specs=pl.BlockSpec((outw, d), lambda b: (b, 0)),
        out_shape=jax.ShapeDtypeStruct((_G, d), jnp.float32),
    )(pa, pb)


def kernel(x, batch, W1, b1, W2, b2):
    n, d = x.shape
    tile_rows = 2000
    batch = batch.astype(jnp.int32)
    e16 = _scores16(x, W1, b1, W2, b2, tile_rows)
    b16 = jnp.broadcast_to(batch.reshape(n, 1), (n, 16))

    segsum, splits = _make_sc_segsum(n, d)
    starts = jnp.array(splits[:_NW], jnp.int32)
    lengths = jnp.array([splits[w + 1] - splits[w] for w in range(_NW)],
                        jnp.int32)
    ranges = jnp.zeros((256,), jnp.int32)
    ranges = ranges.at[0:8 * _NW:8].set(starts)
    ranges = ranges.at[1:8 * _NW:8].set(lengths)

    pa, pb = segsum(x.reshape(n * d), e16.reshape(n * 16),
                    b16.reshape(n * 16), ranges)
    pa = pa.reshape(_NW, _GP, d)
    pb = pb.reshape(_NW, _GP, 16)
    return _combine(pa, pb, d)

# --- scband reference (transcript-rebuilt; emitter-appended) ---
"""Pipeline reference for scband-attention-pooling-9491877724908 (READ-ONLY COPY).

The authoritative reference and input builder live on the scoring server;
editing this copy changes nothing except your own understanding.
"""

import jax, jax.numpy as jnp
import numpy as np

N = 100000
D = 128
G = 512

def setup_inputs(seed: int = 0) -> dict:
    key = jax.random.key(seed)
    k1, k2, k3, k4 = jax.random.split(key, 4)
    x = jax.random.normal(k1, (N, D), dtype=jnp.float32)
    batch = jnp.sort(jax.random.randint(k2, (N,), 0, G, dtype=jnp.int64))
    W1 = jax.random.normal(k3, (D, D // 2), dtype=jnp.float32) * 0.05
    b1 = jnp.zeros((D // 2,), dtype=jnp.float32)
    W2 = jax.random.normal(k4, (D // 2, 1), dtype=jnp.float32) * 0.05
    b2 = jnp.zeros((1,), dtype=jnp.float32)
    return {"x": x, "batch": batch, "W1": W1, "b1": b1, "W2": W2, "b2": b2}

def reference(x, batch, W1, b1, W2, b2):
    # attention_net: Linear(D, D//2) -> Tanh -> Linear(D//2, 1)
    h = jnp.tanh(x @ W1 + b1)
    scores = (h @ W2 + b2)[:, 0]  # [N]
    # per-graph softmax over node scores (segment softmax)
    seg_max = jax.ops.segment_max(scores, batch, num_segments=G)
    ex = jnp.exp(scores - seg_max[batch])
    denom = jax.ops.segment_sum(ex, batch, num_segments=G)
    w = ex / denom[batch]  # [N]
    # weighted sum of node features per graph
    out = jax.ops.segment_sum(x * w[:, None], batch, num_segments=G)
    return out  # [G, D]

if __name__ == "__main__":
    import jax
    _d = setup_inputs()
    print(jax.jit(kernel)(*tuple(_d.values())))

</pallas_src>

<mosaic_0001>
#map = affine_map<(d0, d1) -> (0)>
#map1 = affine_map<(d0, d1) -> (0, 0)>
module attributes {stable_mosaic.version = 14 : i64} {
  func.func @segsum(%arg0: i32, %arg1: i32, %arg2: memref<12800000xf32, #tpu.memory_space<hbm>>, %arg3: memref<1600000xf32, #tpu.memory_space<hbm>>, %arg4: memref<1600000xi32, #tpu.memory_space<hbm>>, %arg5: memref<256xi32, #tpu.memory_space<hbm>>, %arg6: memref<32x67584xf32, #tpu.memory_space<hbm>>, %arg7: memref<32x8448xf32, #tpu.memory_space<hbm>>, %arg8: memref<25600xf32, #tpu.memory_space<vmem>>, %arg9: memref<3200xf32, #tpu.memory_space<vmem>>, %arg10: memref<3200xi32, #tpu.memory_space<vmem>>, %arg11: memref<67584xf32, #tpu.memory_space<vmem>>, %arg12: memref<8448xf32, #tpu.memory_space<vmem>>, %arg13: memref<256xi32, #tpu.memory_space<vmem>>) attributes {dimension_semantics = [#tpu.dimension_semantics<core_parallel>, #tpu.dimension_semantics<subcore_parallel>], iteration_bounds = array<i64: 2, 16>, scalar_prefetch = 0 : i64, scratch_operands = 6 : i64, tpu.core_type = #tpu.core_type<sc_vector_subcore>, window_params = [{transform_indices = #map}, {transform_indices = #map}, {transform_indices = #map}, {transform_indices = #map}, {transform_indices = #map1}, {transform_indices = #map1}]} {
    %mul3A = arith.constant 2 : i32
    %mul3A_0 = arith.muli %arg1, %mul3A : i32
    %add3A = arith.addi %mul3A_0, %arg0 : i32
    "tpu.region"() ({
      %run_scoped3A = tpu.sem_alloc : memref<!tpu.dma_semaphore, #tpu.memory_space<semaphore_mem>>
      tpu.enqueue_dma source(%arg5 : memref<256xi32, #tpu.memory_space<hbm>>) target(%arg13 : memref<256xi32, #tpu.memory_space<vmem>>) target_semaphore(%run_scoped3A : memref<!tpu.dma_semaphore, #tpu.memory_space<semaphore_mem>>)
      tpu.wait_dma2 semaphore(%run_scoped3A : memref<!tpu.dma_semaphore, #tpu.memory_space<semaphore_mem>>) src(%arg5 : memref<256xi32, #tpu.memory_space<hbm>>) dst(%arg13 : memref<256xi32, #tpu.memory_space<vmem>>)
      tpu.yield
    }) : () -> ()
    %mul3A_1 = arith.constant 8 : i32
    %mul3A_2 = arith.muli %mul3A_1, %add3A : i32
    %multiple_of3A = tpu.assume_multiple %mul3A_2, 8 : i32
    %get3A = arith.index_cast %multiple_of3A : i32 to index
    %get3A_3 = tpu.vector_load %arg13[%get3A] {strides = array<i32>} : memref<256xi32, #tpu.memory_space<vmem>>, vector<16xi32>,
    %get3A_4 = vector.shape_cast %get3A_3 : vector<16xi32> to vector<16xi32>
    %slice3A = vector.extract_strided_slice %get3A_4 {offsets = [0], sizes = [1], strides = [1]} : vector<16xi32> to vector<1xi32>
    %squeeze3A = vector.extract %slice3A[0] : i32 from vector<1xi32>
    %slice3A_5 = vector.extract_strided_slice %get3A_4 {offsets = [1], sizes = [1], strides = [1]} : vector<16xi32> to vector<1xi32>
    %squeeze3A_6 = vector.extract %slice3A_5[0] : i32 from vector<1xi32>
    %add3A_7 = arith.constant 200 : i32
    %add3A_8 = arith.addi %squeeze3A_6, %add3A_7 : i32
    %sub3A = arith.constant 1 : i32
    %sub3A_9 = arith.subi %add3A_8, %sub3A : i32
    %jit3A = arith.constant 200 : i32
    %div3A = arith.divsi %sub3A_9, %jit3A : i32
    %sign3A = arith.constant 0 : i32
    %sign3A_10 = arith.cmpi sgt, %sub3A_9, %sign3A : i32
    %sign3A_11 = arith.extui %sign3A_10 : i1 to i32
    %sign3A_12 = arith.constant 0 : i32
    %sign3A_13 = arith.cmpi slt, %sub3A_9, %sign3A_12 : i32
    %sign3A_14 = arith.extui %sign3A_13 : i1 to i32
    %sign3A_15 = arith.subi %sign3A_11, %sign3A_14 : i32
    %sign3A_16 = arith.constant 0 : i32
    %sign3A_17 = arith.cmpi sgt, %jit3A, %sign3A_16 : i32
    %sign3A_18 = arith.extui %sign3A_17 : i1 to i32
    %sign3A_19 = arith.constant 0 : i32
    %sign3A_20 = arith.cmpi slt, %jit3A, %sign3A_19 : i32
    %sign3A_21 = arith.extui %sign3A_20 : i1 to i32
    %sign3A_22 = arith.subi %sign3A_18, %sign3A_21 : i32
    %ne3A = arith.cmpi ne, %sign3A_15, %sign3A_22 : i32
    %rem3A = arith.remsi %sub3A_9, %jit3A : i32
    %ne3A_23 = arith.constant 0 : i32
    %ne3A_24 = arith.cmpi ne, %rem3A, %ne3A_23 : i32
    %and3A = arith.andi %ne3A, %ne3A_24 : i1
    %sub3A_25 = arith.constant 1 : i32
    %sub3A_26 = arith.subi %div3A, %sub3A_25 : i32
    %select_n3A = arith.select %and3A, %sub3A_26, %div3A : i32
    %broadcast_in_dim3A = arith.constant 0.000000e+00 : f32
    %broadcast_in_dim3A_27 = vector.broadcast %broadcast_in_dim3A : f32 to vector<16xf32>
    %scan3A = arith.constant 0 : i32
    %scan3A_28 = arith.constant 0 : i32
    %scan3A_29 = arith.constant 4224 : i32
    %scan3A_30 = arith.addi %scan3A_28, %scan3A_29 : i32
    %scan3A_31 = arith.constant 1 : i32
    scf.for %scan3A_48 = %scan3A_28 to %scan3A_30 step %scan3A_31  : i32 {
      %mul3A_49 = arith.constant 16 : i32
      %mul3A_50 = arith.muli %mul3A_49, %scan3A_48 : i32
      %multiple_of3A_51 = tpu.assume_multiple %mul3A_50, 8 : i32
      %swap3A = arith.index_cast %multiple_of3A_51 : i32 to index
      %swap3A_52 = tpu.vector_load %arg11[%swap3A] {strides = array<i32>} : memref<67584xf32, #tpu.memory_space<vmem>>, vector<16xf32>,
      %swap3A_53 = vector.shape_cast %swap3A_52 : vector<16xf32> to vector<16xf32>
      %swap3A_54 = vector.shape_cast %broadcast_in_dim3A_27 : vector<16xf32> to vector<16xf32>
      tpu.vector_store %arg11[%swap3A], %swap3A_54 {strides = array<i32>} : memref<67584xf32, #tpu.memory_space<vmem>>, vector<16xf32>,
    }
    %scan3A_32 = arith.constant 4224 : i32
    %scan3A_33 = arith.constant 0 : i32
    %scan3A_34 = arith.constant 0 : i32
    %scan3A_35 = arith.constant 528 : i32
    %scan3A_36 = arith.addi %scan3A_34, %scan3A_35 : i32
    %scan3A_37 = arith.constant 1 : i32
    scf.for %scan3A_48 = %scan3A_34 to %scan3A_36 step %scan3A_37  : i32 {
      %mul3A_49 = arith.constant 16 : i32
      %mul3A_50 = arith.muli %mul3A_49, %scan3A_48 : i32
      %multiple_of3A_51 = tpu.assume_multiple %mul3A_50, 8 : i32
      %swap3A = arith.index_cast %multiple_of3A_51 : i32 to index
      %swap3A_52 = tpu.vector_load %arg12[%swap3A] {strides = array<i32>} : memref<8448xf32, #tpu.memory_space<vmem>>, vector<16xf32>,
      %swap3A_53 = vector.shape_cast %swap3A_52 : vector<16xf32> to vector<16xf32>
      %swap3A_54 = vector.shape_cast %broadcast_in_dim3A_27 : vector<16xf32> to vector<16xf32>
      tpu.vector_store %arg12[%swap3A], %swap3A_54 {strides = array<i32>} : memref<8448xf32, #tpu.memory_space<vmem>>, vector<16xf32>,
    }
    %scan3A_38 = arith.constant 528 : i32
    %while3A = arith.constant 0 : i32
    %while3A_39 = arith.constant 0 : i32
    %while3A_40 = arith.subi %select_n3A, %while3A_39 : i32
    %while3A_41 = arith.addi %while3A_39, %while3A_40 : i32
    %while3A_42 = arith.constant 1 : i32
    %while3A_43 = arith.divsi %while3A_40, %while3A_42 : i32
    %while3A_44 = arith.muli %while3A_43, %while3A_42 : i32
    %while3A_45 = arith.addi %while3A_39, %while3A_44 : i32
    %while3A_46 = arith.constant 1 : i32
    scf.for %while3A_48 = %while3A_39 to %while3A_45 step %while3A_46  : i32 {
      %mul3A_49 = arith.constant 200 : i32
      %mul3A_50 = arith.muli %while3A_48, %mul3A_49 : i32
      %add3A_51 = arith.addi %squeeze3A, %mul3A_50 : i32
      %min3A = arith.constant 99800 : i32
      %min3A_52 = arith.minsi %add3A_51, %min3A : i32
      %multiple_of3A_53 = tpu.assume_multiple %min3A_52, 8 : i32
      %sub3A_54 = arith.subi %add3A_51, %multiple_of3A_53 : i32
      %mul3A_55 = arith.constant 200 : i32
      %mul3A_56 = arith.muli %while3A_48, %mul3A_55 : i32
      %sub3A_57 = arith.subi %squeeze3A_6, %mul3A_56 : i32
      %min3A_58 = arith.constant 200 : i32
      %min3A_59 = arith.minsi %sub3A_57, %min3A_58 : i32
      %mul3A_60 = arith.constant 128 : i32
      %mul3A_61 = arith.muli %multiple_of3A_53, %mul3A_60 : i32
      %multiple_of3A_62 = tpu.assume_multiple %mul3A_61, 8 : i32
      "tpu.region"() ({
        %run_scoped3A = tpu.sem_alloc : memref<!tpu.dma_semaphore, #tpu.memory_space<semaphore_mem>>
        %dma_start3A = tpu.memref_slice %arg2[%multiple_of3A_62] : memref<12800000xf32, #tpu.memory_space<hbm>> -> memref<25600xf32, #tpu.memory_space<hbm>>
        %dma_start3A_79 = tpu.memref_slice %arg2[%multiple_of3A_62] : memref<12800000xf32, #tpu.memory_space<hbm>> -> memref<25600xf32, #tpu.memory_space<hbm>>
        tpu.enqueue_dma source(%dma_start3A_79 : memref<25600xf32, #tpu.memory_space<hbm>>) target(%arg8 : memref<25600xf32, #tpu.memory_space<vmem>>) target_semaphore(%run_scoped3A : memref<!tpu.dma_semaphore, #tpu.memory_space<semaphore_mem>>)
        %dma_wait3A = tpu.memref_slice %arg2[%multiple_of3A_62] : memref<12800000xf32, #tpu.memory_space<hbm>> -> memref<25600xf32, #tpu.memory_space<hbm>>
        %dma_wait3A_80 = tpu.memref_slice %arg2[%multiple_of3A_62] : memref<12800000xf32, #tpu.memory_space<hbm>> -> memref<25600xf32, #tpu.memory_space<hbm>>
        tpu.wait_dma2 semaphore(%run_scoped3A : memref<!tpu.dma_semaphore, #tpu.memory_space<semaphore_mem>>) src(%dma_wait3A_80 : memref<25600xf32, #tpu.memory_space<hbm>>) dst(%arg8 : memref<25600xf32, #tpu.memory_space<vmem>>)
        tpu.yield
      }) : () -> ()
      %mul3A_63 = arith.constant 16 : i32
      %mul3A_64 = arith.muli %multiple_of3A_53, %mul3A_63 : i32
      %multiple_of3A_65 = tpu.assume_multiple %mul3A_64, 8 : i32
      "tpu.region"() ({
        %run_scoped3A = tpu.sem_alloc : memref<!tpu.dma_semaphore, #tpu.memory_space<semaphore_mem>>
        %dma_start3A = tpu.memref_slice %arg3[%multiple_of3A_65] : memref<1600000xf32, #tpu.memory_space<hbm>> -> memref<3200xf32, #tpu.memory_space<hbm>>
        %dma_start3A_79 = tpu.memref_slice %arg3[%multiple_of3A_65] : memref<1600000xf32, #tpu.memory_space<hbm>> -> memref<3200xf32, #tpu.memory_space<hbm>>
        tpu.enqueue_dma source(%dma_start3A_79 : memref<3200xf32, #tpu.memory_space<hbm>>) target(%arg9 : memref<3200xf32, #tpu.memory_space<vmem>>) target_semaphore(%run_scoped3A : memref<!tpu.dma_semaphore, #tpu.memory_space<semaphore_mem>>)
        %dma_wait3A = tpu.memref_slice %arg3[%multiple_of3A_65] : memref<1600000xf32, #tpu.memory_space<hbm>> -> memref<3200xf32, #tpu.memory_space<hbm>>
        %dma_wait3A_80 = tpu.memref_slice %arg3[%multiple_of3A_65] : memref<1600000xf32, #tpu.memory_space<hbm>> -> memref<3200xf32, #tpu.memory_space<hbm>>
        tpu.wait_dma2 semaphore(%run_scoped3A : memref<!tpu.dma_semaphore, #tpu.memory_space<semaphore_mem>>) src(%dma_wait3A_80 : memref<3200xf32, #tpu.memory_space<hbm>>) dst(%arg9 : memref<3200xf32, #tpu.memory_space<vmem>>)
        tpu.yield
      }) : () -> ()
      %mul3A_66 = arith.constant 16 : i32
      %mul3A_67 = arith.muli %multiple_of3A_53, %mul3A_66 : i32
      %multiple_of3A_68 = tpu.assume_multiple %mul3A_67, 8 : i32
      "tpu.region"() ({
        %run_scoped3A = tpu.sem_alloc : memref<!tpu.dma_semaphore, #tpu.memory_space<semaphore_mem>>
        %dma_start3A = tpu.memref_slice %arg4[%multiple_of3A_68] : memref<1600000xi32, #tpu.memory_space<hbm>> -> memref<3200xi32, #tpu.memory_space<hbm>>
        %dma_start3A_79 = tpu.memref_slice %arg4[%multiple_of3A_68] : memref<1600000xi32, #tpu.memory_space<hbm>> -> memref<3200xi32, #tpu.memory_space<hbm>>
        tpu.enqueue_dma source(%dma_start3A_79 : memref<3200xi32, #tpu.memory_space<hbm>>) target(%arg10 : memref<3200xi32, #tpu.memory_space<vmem>>) target_semaphore(%run_scoped3A : memref<!tpu.dma_semaphore, #tpu.memory_space<semaphore_mem>>)
        %dma_wait3A = tpu.memref_slice %arg4[%multiple_of3A_68] : memref<1600000xi32, #tpu.memory_space<hbm>> -> memref<3200xi32, #tpu.memory_space<hbm>>
        %dma_wait3A_80 = tpu.memref_slice %arg4[%multiple_of3A_68] : memref<1600000xi32, #tpu.memory_space<hbm>> -> memref<3200xi32, #tpu.memory_space<hbm>>
        tpu.wait_dma2 semaphore(%run_scoped3A : memref<!tpu.dma_semaphore, #tpu.memory_space<semaphore_mem>>) src(%dma_wait3A_80 : memref<3200xi32, #tpu.memory_space<hbm>>) dst(%arg10 : memref<3200xi32, #tpu.memory_space<vmem>>)
        tpu.yield
      }) : () -> ()
      %while3A_69 = arith.constant 0 : i32
      %while3A_70 = arith.constant 0 : i32
      %while3A_71 = arith.subi %min3A_59, %while3A_70 : i32
      %while3A_72 = arith.addi %while3A_70, %while3A_71 : i32
      %while3A_73 = arith.constant 1 : i32
      %while3A_74 = arith.divsi %while3A_71, %while3A_73 : i32
      %while3A_75 = arith.muli %while3A_74, %while3A_73 : i32
      %while3A_76 = arith.addi %while3A_70, %while3A_75 : i32
      %while3A_77 = arith.constant 1 : i32
      scf.for %while3A_79 = %while3A_70 to %while3A_76 step %while3A_77  : i32 {
        %add3A_80 = arith.addi %while3A_79, %sub3A_54 : i32
        %mul3A_81 = arith.constant 16 : i32
        %mul3A_82 = arith.muli %add3A_80, %mul3A_81 : i32
        %multiple_of3A_83 = tpu.assume_multiple %mul3A_82, 8 : i32
        %get3A_84 = arith.index_cast %multiple_of3A_83 : i32 to index
        %get3A_85 = tpu.vector_load %arg9[%get3A_84] {strides = array<i32>} : memref<3200xf32, #tpu.memory_space<vmem>>, vector<16xf32>,
        %get3A_86 = vector.shape_cast %get3A_85 : vector<16xf32> to vector<16xf32>
        %mul3A_87 = arith.constant 16 : i32
        %mul3A_88 = arith.muli %add3A_80, %mul3A_87 : i32
        %multiple_of3A_89 = tpu.assume_multiple %mul3A_88, 8 : i32
        %get3A_90 = arith.index_cast %multiple_of3A_89 : i32 to index
        %get3A_91 = tpu.vector_load %arg10[%get3A_90] {strides = array<i32>} : memref<3200xi32, #tpu.memory_space<vmem>>, vector<16xi32>,
        %get3A_92 = vector.shape_cast %get3A_91 : vector<16xi32> to vector<16xi32>
        %slice3A_93 = vector.extract_strided_slice %get3A_92 {offsets = [0], sizes = [1], strides = [1]} : vector<16xi32> to vector<1xi32>
        %squeeze3A_94 = vector.extract %slice3A_93[0] : i32 from vector<1xi32>
        %mul3A_95 = arith.constant 128 : i32
        %mul3A_96 = arith.muli %add3A_80, %mul3A_95 : i32
        %add3A_97 = arith.constant 0 : i32
        %add3A_98 = arith.addi %mul3A_96, %add3A_97 : i32
        %multiple_of3A_99 = tpu.assume_multiple %add3A_98, 8 : i32
        %get3A_100 = arith.index_cast %multiple_of3A_99 : i32 to index
        %get3A_101 = tpu.vector_load %arg8[%get3A_100] {strides = array<i32>} : memref<25600xf32, #tpu.memory_space<vmem>>, vector<16xf32>,
        %get3A_102 = vector.shape_cast %get3A_101 : vector<16xf32> to vector<16xf32>
        %mul3A_103 = arith.constant 128 : i32
        %mul3A_104 = arith.muli %squeeze3A_94, %mul3A_103 : i32
        %add3A_105 = arith.constant 0 : i32
        %add3A_106 = arith.addi %mul3A_104, %add3A_105 : i32
        %multiple_of3A_107 = tpu.assume_multiple %add3A_106, 8 : i32
        %mul3A_108 = arith.mulf %get3A_102, %get3A_86 : vector<16xf32>
        %swap3A = arith.index_cast %multiple_of3A_107 : i32 to index
        %swap3A_109 = tpu.vector_load %arg11[%swap3A] {strides = array<i32>} : memref<67584xf32, #tpu.memory_space<vmem>>, vector<16xf32>,
        %swap3A_110 = vector.shape_cast %swap3A_109 : vector<16xf32> to vector<16xf32>
        %swap3A_111 = vector.shape_cast %mul3A_108 : vector<16xf32> to vector<16xf32>
        tpu.vector_store %arg11[%swap3A], %swap3A_111 {add = true, strides = array<i32>} : memref<67584xf32, #tpu.memory_space<vmem>>, vector<16xf32>,
        %mul3A_112 = arith.constant 128 : i32
        %mul3A_113 = arith.muli %add3A_80, %mul3A_112 : i32
        %add3A_114 = arith.constant 16 : i32
        %add3A_115 = arith.addi %mul3A_113, %add3A_114 : i32
        %multiple_of3A_116 = tpu.assume_multiple %add3A_115, 8 : i32
        %get3A_117 = arith.index_cast %multiple_of3A_116 : i32 to index
        %get3A_118 = tpu.vector_load %arg8[%get3A_117] {strides = array<i32>} : memref<25600xf32, #tpu.memory_space<vmem>>, vector<16xf32>,
        %get3A_119 = vector.shape_cast %get3A_118 : vector<16xf32> to vector<16xf32>
        %mul3A_120 = arith.constant 128 : i32
        %mul3A_121 = arith.muli %squeeze3A_94, %mul3A_120 : i32
        %add3A_122 = arith.constant 16 : i32
        %add3A_123 = arith.addi %mul3A_121, %add3A_122 : i32
        %multiple_of3A_124 = tpu.assume_multiple %add3A_123, 8 : i32
        %mul3A_125 = arith.mulf %get3A_119, %get3A_86 : vector<16xf32>
        %swap3A_126 = arith.index_cast %multiple_of3A_124 : i32 to index
        %swap3A_127 = tpu.vector_load %arg11[%swap3A_126] {strides = array<i32>} : memref<67584xf32, #tpu.memory_space<vmem>>, vector<16xf32>,
        %swap3A_128 = vector.shape_cast %swap3A_127 : vector<16xf32> to vector<16xf32>
        %swap3A_129 = vector.shape_cast %mul3A_125 : vector<16xf32> to vector<16xf32>
        tpu.vector_store %arg11[%swap3A_126], %swap3A_129 {add = true, strides = array<i32>} : memref<67584xf32, #tpu.memory_space<vmem>>, vector<16xf32>,
        %mul3A_130 = arith.constant 128 : i32
        %mul3A_131 = arith.muli %add3A_80, %mul3A_130 : i32
        %add3A_132 = arith.constant 32 : i32
        %add3A_133 = arith.addi %mul3A_131, %add3A_132 : i32
        %multiple_of3A_134 = tpu.assume_multiple %add3A_133, 8 : i32
        %get3A_135 = arith.index_cast %multiple_of3A_134 : i32 to index
        %get3A_136 = tpu.vector_load %arg8[%get3A_135] {strides = array<i32>} : memref<25600xf32, #tpu.memory_space<vmem>>, vector<16xf32>,
        %get3A_137 = vector.shape_cast %get3A_136 : vector<16xf32> to vector<16xf32>
        %mul3A_138 = arith.constant 128 : i32
        %mul3A_139 = arith.muli %squeeze3A_94, %mul3A_138 : i32
        %add3A_140 = arith.constant 32 : i32
        %add3A_141 = arith.addi %mul3A_139, %add3A_140 : i32
        %multiple_of3A_142 = tpu.assume_multiple %add3A_141, 8 : i32
        %mul3A_143 = arith.mulf %get3A_137, %get3A_86 : vector<16xf32>
        %swap3A_144 = arith.index_cast %multiple_of3A_142 : i32 to index
        %swap3A_145 = tpu.vector_load %arg11[%swap3A_144] {strides = array<i32>} : memref<67584xf32, #tpu.memory_space<vmem>>, vector<16xf32>,
        %swap3A_146 = vector.shape_cast %swap3A_145 : vector<16xf32> to vector<16xf32>
        %swap3A_147 = vector.shape_cast %mul3A_143 : vector<16xf32> to vector<16xf32>
        tpu.vector_store %arg11[%swap3A_144], %swap3A_147 {add = true, strides = array<i32>} : memref<67584xf32, #tpu.memory_space<vmem>>, vector<16xf32>,
        %mul3A_148 = arith.constant 128 : i32
        %mul3A_149 = arith.muli %add3A_80, %mul3A_148 : i32
        %add3A_150 = arith.constant 48 : i32
        %add3A_151 = arith.addi %mul3A_149, %add3A_150 : i32
        %multiple_of3A_152 = tpu.assume_multiple %add3A_151, 8 : i32
        %get3A_153 = arith.index_cast %multiple_of3A_152 : i32 to index
        %get3A_154 = tpu.vector_load %arg8[%get3A_153] {strides = array<i32>} : memref<25600xf32, #tpu.memory_space<vmem>>, vector<16xf32>,
        %get3A_155 = vector.shape_cast %get3A_154 : vector<16xf32> to vector<16xf32>
        %mul3A_156 = arith.constant 128 : i32
        %mul3A_157 = arith.muli %squeeze3A_94, %mul3A_156 : i32
        %add3A_158 = arith.constant 48 : i32
        %add3A_159 = arith.addi %mul3A_157, %add3A_158 : i32
        %multiple_of3A_160 = tpu.assume_multiple %add3A_159, 8 : i32
        %mul3A_161 = arith.mulf %get3A_155, %get3A_86 : vector<16xf32>
        %swap3A_162 = arith.index_cast %multiple_of3A_160 : i32 to index
        %swap3A_163 = tpu.vector_load %arg11[%swap3A_162] {strides = array<i32>} : memref<67584xf32, #tpu.memory_space<vmem>>, vector<16xf32>,
        %swap3A_164 = vector.shape_cast %swap3A_163 : vector<16xf32> to vector<16xf32>
        %swap3A_165 = vector.shape_cast %mul3A_161 : vector<16xf32> to vector<16xf32>
        tpu.vector_store %arg11[%swap3A_162], %swap3A_165 {add = true, strides = array<i32>} : memref<67584xf32, #tpu.memory_space<vmem>>, vector<16xf32>,
        %mul3A_166 = arith.constant 128 : i32
        %mul3A_167 = arith.muli %add3A_80, %mul3A_166 : i32
        %add3A_168 = arith.constant 64 : i32
        %add3A_169 = arith.addi %mul3A_167, %add3A_168 : i32
        %multiple_of3A_170 = tpu.assume_multiple %add3A_169, 8 : i32
        %get3A_171 = arith.index_cast %multiple_of3A_170 : i32 to index
        %get3A_172 = tpu.vector_load %arg8[%get3A_171] {strides = array<i32>} : memref<25600xf32, #tpu.memory_space<vmem>>, vector<16xf32>,
        %get3A_173 = vector.shape_cast %get3A_172 : vector<16xf32> to vector<16xf32>
        %mul3A_174 = arith.constant 128 : i32
        %mul3A_175 = arith.muli %squeeze3A_94, %mul3A_174 : i32
        %add3A_176 = arith.constant 64 : i32
        %add3A_177 = arith.addi %mul3A_175, %add3A_176 : i32
        %multiple_of3A_178 = tpu.assume_multiple %add3A_177, 8 : i32
        %mul3A_179 = arith.mulf %get3A_173, %get3A_86 : vector<16xf32>
        %swap3A_180 = arith.index_cast %multiple_of3A_178 : i32 to index
        %swap3A_181 = tpu.vector_load %arg11[%swap3A_180] {strides = array<i32>} : memref<67584xf32, #tpu.memory_space<vmem>>, vector<16xf32>,
        %swap3A_182 = vector.shape_cast %swap3A_181 : vector<16xf32> to vector<16xf32>
        %swap3A_183 = vector.shape_cast %mul3A_179 : vector<16xf32> to vector<16xf32>
        tpu.vector_store %arg11[%swap3A_180], %swap3A_183 {add = true, strides = array<i32>} : memref<67584xf32, #tpu.memory_space<vmem>>, vector<16xf32>,
        %mul3A_184 = arith.constant 128 : i32
        %mul3A_185 = arith.muli %add3A_80, %mul3A_184 : i32
        %add3A_186 = arith.constant 80 : i32
        %add3A_187 = arith.addi %mul3A_185, %add3A_186 : i32
        %multiple_of3A_188 = tpu.assume_multiple %add3A_187, 8 : i32
        %get3A_189 = arith.index_cast %multiple_of3A_188 : i32 to index
        %get3A_190 = tpu.vector_load %arg8[%get3A_189] {strides = array<i32>} : memref<25600xf32, #tpu.memory_space<vmem>>, vector<16xf32>,
        %get3A_191 = vector.shape_cast %get3A_190 : vector<16xf32> to vector<16xf32>
        %mul3A_192 = arith.constant 128 : i32
        %mul3A_193 = arith.muli %squeeze3A_94, %mul3A_192 : i32
        %add3A_194 = arith.constant 80 : i32
        %add3A_195 = arith.addi %mul3A_193, %add3A_194 : i32
        %multiple_of3A_196 = tpu.assume_multiple %add3A_195, 8 : i32
        %mul3A_197 = arith.mulf %get3A_191, %get3A_86 : vector<16xf32>
        %swap3A_198 = arith.index_cast %multiple_of3A_196 : i32 to index
        %swap3A_199 = tpu.vector_load %arg11[%swap3A_198] {strides = array<i32>} : memref<67584xf32, #tpu.memory_space<vmem>>, vector<16xf32>,
        %swap3A_200 = vector.shape_cast %swap3A_199 : vector<16xf32> to vector<16xf32>
        %swap3A_201 = vector.shape_cast %mul3A_197 : vector<16xf32> to vector<16xf32>
        tpu.vector_store %arg11[%swap3A_198], %swap3A_201 {add = true, strides = array<i32>} : memref<67584xf32, #tpu.memory_space<vmem>>, vector<16xf32>,
        %mul3A_202 = arith.constant 128 : i32
        %mul3A_203 = arith.muli %add3A_80, %mul3A_202 : i32
        %add3A_204 = arith.constant 96 : i32
        %add3A_205 = arith.addi %mul3A_203, %add3A_204 : i32
        %multiple_of3A_206 = tpu.assume_multiple %add3A_205, 8 : i32
        %get3A_207 = arith.index_cast %multiple_of3A_206 : i32 to index
        %get3A_208 = tpu.vector_load %arg8[%get3A_207] {strides = array<i32>} : memref<25600xf32, #tpu.memory_space<vmem>>, vector<16xf32>,
        %get3A_209 = vector.shape_cast %get3A_208 : vector<16xf32> to vector<16xf32>
        %mul3A_210 = arith.constant 128 : i32
        %mul3A_211 = arith.muli %squeeze3A_94, %mul3A_210 : i32
        %add3A_212 = arith.constant 96 : i32
        %add3A_213 = arith.addi %mul3A_211, %add3A_212 : i32
        %multiple_of3A_214 = tpu.assume_multiple %add3A_213, 8 : i32
        %mul3A_215 = arith.mulf %get3A_209, %get3A_86 : vector<16xf32>
        %swap3A_216 = arith.index_cast %multiple_of3A_214 : i32 to index
        %swap3A_217 = tpu.vector_load %arg11[%swap3A_216] {strides = array<i32>} : memref<67584xf32, #tpu.memory_space<vmem>>, vector<16xf32>,
        %swap3A_218 = vector.shape_cast %swap3A_217 : vector<16xf32> to vector<16xf32>
        %swap3A_219 = vector.shape_cast %mul3A_215 : vector<16xf32> to vector<16xf32>
        tpu.vector_store %arg11[%swap3A_216], %swap3A_219 {add = true, strides = array<i32>} : memref<67584xf32, #tpu.memory_space<vmem>>, vector<16xf32>,
        %mul3A_220 = arith.constant 128 : i32
        %mul3A_221 = arith.muli %add3A_80, %mul3A_220 : i32
        %add3A_222 = arith.constant 112 : i32
        %add3A_223 = arith.addi %mul3A_221, %add3A_222 : i32
        %multiple_of3A_224 = tpu.assume_multiple %add3A_223, 8 : i32
        %get3A_225 = arith.index_cast %multiple_of3A_224 : i32 to index
        %get3A_226 = tpu.vector_load %arg8[%get3A_225] {strides = array<i32>} : memref<25600xf32, #tpu.memory_space<vmem>>, vector<16xf32>,
        %get3A_227 = vector.shape_cast %get3A_226 : vector<16xf32> to vector<16xf32>
        %mul3A_228 = arith.constant 128 : i32
        %mul3A_229 = arith.muli %squeeze3A_94, %mul3A_228 : i32
        %add3A_230 = arith.constant 112 : i32
        %add3A_231 = arith.addi %mul3A_229, %add3A_230 : i32
        %multiple_of3A_232 = tpu.assume_multiple %add3A_231, 8 : i32
        %mul3A_233 = arith.mulf %get3A_227, %get3A_86 : vector<16xf32>
        %swap3A_234 = arith.index_cast %multiple_of3A_232 : i32 to index
        %swap3A_235 = tpu.vector_load %arg11[%swap3A_234] {strides = array<i32>} : memref<67584xf32, #tpu.memory_space<vmem>>, vector<16xf32>,
        %swap3A_236 = vector.shape_cast %swap3A_235 : vector<16xf32> to vector<16xf32>
        %swap3A_237 = vector.shape_cast %mul3A_233 : vector<16xf32> to vector<16xf32>
        tpu.vector_store %arg11[%swap3A_234], %swap3A_237 {add = true, strides = array<i32>} : memref<67584xf32, #tpu.memory_space<vmem>>, vector<16xf32>,
        %mul3A_238 = arith.constant 16 : i32
        %mul3A_239 = arith.muli %squeeze3A_94, %mul3A_238 : i32
        %multiple_of3A_240 = tpu.assume_multiple %mul3A_239, 8 : i32
        %swap3A_241 = arith.index_cast %multiple_of3A_240 : i32 to index
        %swap3A_242 = tpu.vector_load %arg12[%swap3A_241] {strides = array<i32>} : memref<8448xf32, #tpu.memory_space<vmem>>, vector<16xf32>,
        %swap3A_243 = vector.shape_cast %swap3A_242 : vector<16xf32> to vector<16xf32>
        %swap3A_244 = vector.shape_cast %get3A_86 : vector<16xf32> to vector<16xf32>
        tpu.vector_store %arg12[%swap3A_241], %swap3A_244 {add = true, strides = array<i32>} : memref<8448xf32, #tpu.memory_space<vmem>>, vector<16xf32>,
      }
      %while3A_78 = arith.constant 1 : i32
      scf.for %while3A_79 = %while3A_76 to %while3A_72 step %while3A_78  : i32 {
        %add3A_80 = arith.addi %while3A_79, %sub3A_54 : i32
        %mul3A_81 = arith.constant 16 : i32
        %mul3A_82 = arith.muli %add3A_80, %mul3A_81 : i32
        %multiple_of3A_83 = tpu.assume_multiple %mul3A_82, 8 : i32
        %get3A_84 = arith.index_cast %multiple_of3A_83 : i32 to index
        %get3A_85 = tpu.vector_load %arg9[%get3A_84] {strides = array<i32>} : memref<3200xf32, #tpu.memory_space<vmem>>, vector<16xf32>,
        %get3A_86 = vector.shape_cast %get3A_85 : vector<16xf32> to vector<16xf32>
        %mul3A_87 = arith.constant 16 : i32
        %mul3A_88 = arith.muli %add3A_80, %mul3A_87 : i32
        %multiple_of3A_89 = tpu.assume_multiple %mul3A_88, 8 : i32
        %get3A_90 = arith.index_cast %multiple_of3A_89 : i32 to index
        %get3A_91 = tpu.vector_load %arg10[%get3A_90] {strides = array<i32>} : memref<3200xi32, #tpu.memory_space<vmem>>, vector<16xi32>,
        %get3A_92 = vector.shape_cast %get3A_91 : vector<16xi32> to vector<16xi32>
        %slice3A_93 = vector.extract_strided_slice %get3A_92 {offsets = [0], sizes = [1], strides = [1]} : vector<16xi32> to vector<1xi32>
        %squeeze3A_94 = vector.extract %slice3A_93[0] : i32 from vector<1xi32>
        %mul3A_95 = arith.constant 128 : i32
        %mul3A_96 = arith.muli %add3A_80, %mul3A_95 : i32
        %add3A_97 = arith.constant 0 : i32
        %add3A_98 = arith.addi %mul3A_96, %add3A_97 : i32
        %multiple_of3A_99 = tpu.assume_multiple %add3A_98, 8 : i32
        %get3A_100 = arith.index_cast %multiple_of3A_99 : i32 to index
        %get3A_101 = tpu.vector_load %arg8[%get3A_100] {strides = array<i32>} : memref<25600xf32, #tpu.memory_space<vmem>>, vector<16xf32>,
        %get3A_102 = vector.shape_cast %get3A_101 : vector<16xf32> to vector<16xf32>
        %mul3A_103 = arith.constant 128 : i32
        %mul3A_104 = arith.muli %squeeze3A_94, %mul3A_103 : i32
        %add3A_105 = arith.constant 0 : i32
        %add3A_106 = arith.addi %mul3A_104, %add3A_105 : i32
        %multiple_of3A_107 = tpu.assume_multiple %add3A_106, 8 : i32
        %mul3A_108 = arith.mulf %get3A_102, %get3A_86 : vector<16xf32>
        %swap3A = arith.index_cast %multiple_of3A_107 : i32 to index
        %swap3A_109 = tpu.vector_load %arg11[%swap3A] {strides = array<i32>} : memref<67584xf32, #tpu.memory_space<vmem>>, vector<16xf32>,
        %swap3A_110 = vector.shape_cast %swap3A_109 : vector<16xf32> to vector<16xf32>
        %swap3A_111 = vector.shape_cast %mul3A_108 : vector<16xf32> to vector<16xf32>
        tpu.vector_store %arg11[%swap3A], %swap3A_111 {add = true, strides = array<i32>} : memref<67584xf32, #tpu.memory_space<vmem>>, vector<16xf32>,
        %mul3A_112 = arith.constant 128 : i32
        %mul3A_113 = arith.muli %add3A_80, %mul3A_112 : i32
        %add3A_114 = arith.constant 16 : i32
        %add3A_115 = arith.addi %mul3A_113, %add3A_114 : i32
        %multiple_of3A_116 = tpu.assume_multiple %add3A_115, 8 : i32
        %get3A_117 = arith.index_cast %multiple_of3A_116 : i32 to index
        %get3A_118 = tpu.vector_load %arg8[%get3A_117] {strides = array<i32>} : memref<25600xf32, #tpu.memory_space<vmem>>, vector<16xf32>,
        %get3A_119 = vector.shape_cast %get3A_118 : vector<16xf32> to vector<16xf32>
        %mul3A_120 = arith.constant 128 : i32
        %mul3A_121 = arith.muli %squeeze3A_94, %mul3A_120 : i32
        %add3A_122 = arith.constant 16 : i32
        %add3A_123 = arith.addi %mul3A_121, %add3A_122 : i32
        %multiple_of3A_124 = tpu.assume_multiple %add3A_123, 8 : i32
        %mul3A_125 = arith.mulf %get3A_119, %get3A_86 : vector<16xf32>
        %swap3A_126 = arith.index_cast %multiple_of3A_124 : i32 to index
        %swap3A_127 = tpu.vector_load %arg11[%swap3A_126] {strides = array<i32>} : memref<67584xf32, #tpu.memory_space<vmem>>, vector<16xf32>,
        %swap3A_128 = vector.shape_cast %swap3A_127 : vector<16xf32> to vector<16xf32>
        %swap3A_129 = vector.shape_cast %mul3A_125 : vector<16xf32> to vector<16xf32>
        tpu.vector_store %arg11[%swap3A_126], %swap3A_129 {add = true, strides = array<i32>} : memref<67584xf32, #tpu.memory_space<vmem>>, vector<16xf32>,
        %mul3A_130 = arith.constant 128 : i32
        %mul3A_131 = arith.muli %add3A_80, %mul3A_130 : i32
        %add3A_132 = arith.constant 32 : i32
        %add3A_133 = arith.addi %mul3A_131, %add3A_132 : i32
        %multiple_of3A_134 = tpu.assume_multiple %add3A_133, 8 : i32
        %get3A_135 = arith.index_cast %multiple_of3A_134 : i32 to index
        %get3A_136 = tpu.vector_load %arg8[%get3A_135] {strides = array<i32>} : memref<25600xf32, #tpu.memory_space<vmem>>, vector<16xf32>,
        %get3A_137 = vector.shape_cast %get3A_136 : vector<16xf32> to vector<16xf32>
        %mul3A_138 = arith.constant 128 : i32
        %mul3A_139 = arith.muli %squeeze3A_94, %mul3A_138 : i32
        %add3A_140 = arith.constant 32 : i32
        %add3A_141 = arith.addi %mul3A_139, %add3A_140 : i32
        %multiple_of3A_142 = tpu.assume_multiple %add3A_141, 8 : i32
        %mul3A_143 = arith.mulf %get3A_137, %get3A_86 : vector<16xf32>
        %swap3A_144 = arith.index_cast %multiple_of3A_142 : i32 to index
        %swap3A_145 = tpu.vector_load %arg11[%swap3A_144] {strides = array<i32>} : memref<67584xf32, #tpu.memory_space<vmem>>, vector<16xf32>,
        %swap3A_146 = vector.shape_cast %swap3A_145 : vector<16xf32> to vector<16xf32>
        %swap3A_147 = vector.shape_cast %mul3A_143 : vector<16xf32> to vector<16xf32>
        tpu.vector_store %arg11[%swap3A_144], %swap3A_147 {add = true, strides = array<i32>} : memref<67584xf32, #tpu.memory_space<vmem>>, vector<16xf32>,
        %mul3A_148 = arith.constant 128 : i32
        %mul3A_149 = arith.muli %add3A_80, %mul3A_148 : i32
        %add3A_150 = arith.constant 48 : i32
        %add3A_151 = arith.addi %mul3A_149, %add3A_150 : i32
        %multiple_of3A_152 = tpu.assume_multiple %add3A_151, 8 : i32
        %get3A_153 = arith.index_cast %multiple_of3A_152 : i32 to index
        %get3A_154 = tpu.vector_load %arg8[%get3A_153] {strides = array<i32>} : memref<25600xf32, #tpu.memory_space<vmem>>, vector<16xf32>,
        %get3A_155 = vector.shape_cast %get3A_154 : vector<16xf32> to vector<16xf32>
        %mul3A_156 = arith.constant 128 : i32
        %mul3A_157 = arith.muli %squeeze3A_94, %mul3A_156 : i32
        %add3A_158 = arith.constant 48 : i32
        %add3A_159 = arith.addi %mul3A_157, %add3A_158 : i32
        %multiple_of3A_160 = tpu.assume_multiple %add3A_159, 8 : i32
        %mul3A_161 = arith.mulf %get3A_155, %get3A_86 : vector<16xf32>
        %swap3A_162 = arith.index_cast %multiple_of3A_160 : i32 to index
        %swap3A_163 = tpu.vector_load %arg11[%swap3A_162] {strides = array<i32>} : memref<67584xf32, #tpu.memory_space<vmem>>, vector<16xf32>,
        %swap3A_164 = vector.shape_cast %swap3A_163 : vector<16xf32> to vector<16xf32>
        %swap3A_165 = vector.shape_cast %mul3A_161 : vector<16xf32> to vector<16xf32>
        tpu.vector_store %arg11[%swap3A_162], %swap3A_165 {add = true, strides = array<i32>} : memref<67584xf32, #tpu.memory_space<vmem>>, vector<16xf32>,
        %mul3A_166 = arith.constant 128 : i32
        %mul3A_167 = arith.muli %add3A_80, %mul3A_166 : i32
        %add3A_168 = arith.constant 64 : i32
        %add3A_169 = arith.addi %mul3A_167, %add3A_168 : i32
        %multiple_of3A_170 = tpu.assume_multiple %add3A_169, 8 : i32
        %get3A_171 = arith.index_cast %multiple_of3A_170 : i32 to index
        %get3A_172 = tpu.vector_load %arg8[%get3A_171] {strides = array<i32>} : memref<25600xf32, #tpu.memory_space<vmem>>, vector<16xf32>,
        %get3A_173 = vector.shape_cast %get3A_172 : vector<16xf32> to vector<16xf32>
        %mul3A_174 = arith.constant 128 : i32
        %mul3A_175 = arith.muli %squeeze3A_94, %mul3A_174 : i32
        %add3A_176 = arith.constant 64 : i32
        %add3A_177 = arith.addi %mul3A_175, %add3A_176 : i32
        %multiple_of3A_178 = tpu.assume_multiple %add3A_177, 8 : i32
        %mul3A_179 = arith.mulf %get3A_173, %get3A_86 : vector<16xf32>
        %swap3A_180 = arith.index_cast %multiple_of3A_178 : i32 to index
        %swap3A_181 = tpu.vector_load %arg11[%swap3A_180] {strides = array<i32>} : memref<67584xf32, #tpu.memory_space<vmem>>, vector<16xf32>,
        %swap3A_182 = vector.shape_cast %swap3A_181 : vector<16xf32> to vector<16xf32>
        %swap3A_183 = vector.shape_cast %mul3A_179 : vector<16xf32> to vector<16xf32>
        tpu.vector_store %arg11[%swap3A_180], %swap3A_183 {add = true, strides = array<i32>} : memref<67584xf32, #tpu.memory_space<vmem>>, vector<16xf32>,
        %mul3A_184 = arith.constant 128 : i32
        %mul3A_185 = arith.muli %add3A_80, %mul3A_184 : i32
        %add3A_186 = arith.constant 80 : i32
        %add3A_187 = arith.addi %mul3A_185, %add3A_186 : i32
        %multiple_of3A_188 = tpu.assume_multiple %add3A_187, 8 : i32
        %get3A_189 = arith.index_cast %multiple_of3A_188 : i32 to index
        %get3A_190 = tpu.vector_load %arg8[%get3A_189] {strides = array<i32>} : memref<25600xf32, #tpu.memory_space<vmem>>, vector<16xf32>,
        %get3A_191 = vector.shape_cast %get3A_190 : vector<16xf32> to vector<16xf32>
        %mul3A_192 = arith.constant 128 : i32
        %mul3A_193 = arith.muli %squeeze3A_94, %mul3A_192 : i32
        %add3A_194 = arith.constant 80 : i32
        %add3A_195 = arith.addi %mul3A_193, %add3A_194 : i32
        %multiple_of3A_196 = tpu.assume_multiple %add3A_195, 8 : i32
        %mul3A_197 = arith.mulf %get3A_191, %get3A_86 : vector<16xf32>
        %swap3A_198 = arith.index_cast %multiple_of3A_196 : i32 to index
        %swap3A_199 = tpu.vector_load %arg11[%swap3A_198] {strides = array<i32>} : memref<67584xf32, #tpu.memory_space<vmem>>, vector<16xf32>,
        %swap3A_200 = vector.shape_cast %swap3A_199 : vector<16xf32> to vector<16xf32>
        %swap3A_201 = vector.shape_cast %mul3A_197 : vector<16xf32> to vector<16xf32>
        tpu.vector_store %arg11[%swap3A_198], %swap3A_201 {add = true, strides = array<i32>} : memref<67584xf32, #tpu.memory_space<vmem>>, vector<16xf32>,
        %mul3A_202 = arith.constant 128 : i32
        %mul3A_203 = arith.muli %add3A_80, %mul3A_202 : i32
        %add3A_204 = arith.constant 96 : i32
        %add3A_205 = arith.addi %mul3A_203, %add3A_204 : i32
        %multiple_of3A_206 = tpu.assume_multiple %add3A_205, 8 : i32
        %get3A_207 = arith.index_cast %multiple_of3A_206 : i32 to index
        %get3A_208 = tpu.vector_load %arg8[%get3A_207] {strides = array<i32>} : memref<25600xf32, #tpu.memory_space<vmem>>, vector<16xf32>,
        %get3A_209 = vector.shape_cast %get3A_208 : vector<16xf32> to vector<16xf32>
        %mul3A_210 = arith.constant 128 : i32
        %mul3A_211 = arith.muli %squeeze3A_94, %mul3A_210 : i32
        %add3A_212 = arith.constant 96 : i32
        %add3A_213 = arith.addi %mul3A_211, %add3A_212 : i32
        %multiple_of3A_214 = tpu.assume_multiple %add3A_213, 8 : i32
        %mul3A_215 = arith.mulf %get3A_209, %get3A_86 : vector<16xf32>
        %swap3A_216 = arith.index_cast %multiple_of3A_214 : i32 to index
        %swap3A_217 = tpu.vector_load %arg11[%swap3A_216] {strides = array<i32>} : memref<67584xf32, #tpu.memory_space<vmem>>, vector<16xf32>,
        %swap3A_218 = vector.shape_cast %swap3A_217 : vector<16xf32> to vector<16xf32>
        %swap3A_219 = vector.shape_cast %mul3A_215 : vector<16xf32> to vector<16xf32>
        tpu.vector_store %arg11[%swap3A_216], %swap3A_219 {add = true, strides = array<i32>} : memref<67584xf32, #tpu.memory_space<vmem>>, vector<16xf32>,
        %mul3A_220 = arith.constant 128 : i32
        %mul3A_221 = arith.muli %add3A_80, %mul3A_220 : i32
        %add3A_222 = arith.constant 112 : i32
        %add3A_223 = arith.addi %mul3A_221, %add3A_222 : i32
        %multiple_of3A_224 = tpu.assume_multiple %add3A_223, 8 : i32
        %get3A_225 = arith.index_cast %multiple_of3A_224 : i32 to index
        %get3A_226 = tpu.vector_load %arg8[%get3A_225] {strides = array<i32>} : memref<25600xf32, #tpu.memory_space<vmem>>, vector<16xf32>,
        %get3A_227 = vector.shape_cast %get3A_226 : vector<16xf32> to vector<16xf32>
        %mul3A_228 = arith.constant 128 : i32
        %mul3A_229 = arith.muli %squeeze3A_94, %mul3A_228 : i32
        %add3A_230 = arith.constant 112 : i32
        %add3A_231 = arith.addi %mul3A_229, %add3A_230 : i32
        %multiple_of3A_232 = tpu.assume_multiple %add3A_231, 8 : i32
        %mul3A_233 = arith.mulf %get3A_227, %get3A_86 : vector<16xf32>
        %swap3A_234 = arith.index_cast %multiple_of3A_232 : i32 to index
        %swap3A_235 = tpu.vector_load %arg11[%swap3A_234] {strides = array<i32>} : memref<67584xf32, #tpu.memory_space<vmem>>, vector<16xf32>,
        %swap3A_236 = vector.shape_cast %swap3A_235 : vector<16xf32> to vector<16xf32>
        %swap3A_237 = vector.shape_cast %mul3A_233 : vector<16xf32> to vector<16xf32>
        tpu.vector_store %arg11[%swap3A_234], %swap3A_237 {add = true, strides = array<i32>} : memref<67584xf32, #tpu.memory_space<vmem>>, vector<16xf32>,
        %mul3A_238 = arith.constant 16 : i32
        %mul3A_239 = arith.muli %squeeze3A_94, %mul3A_238 : i32
        %multiple_of3A_240 = tpu.assume_multiple %mul3A_239, 8 : i32
        %swap3A_241 = arith.index_cast %multiple_of3A_240 : i32 to index
        %swap3A_242 = tpu.vector_load %arg12[%swap3A_241] {strides = array<i32>} : memref<8448xf32, #tpu.memory_space<vmem>>, vector<16xf32>,
        %swap3A_243 = vector.shape_cast %swap3A_242 : vector<16xf32> to vector<16xf32>
        %swap3A_244 = vector.shape_cast %get3A_86 : vector<16xf32> to vector<16xf32>
        tpu.vector_store %arg12[%swap3A_241], %swap3A_244 {add = true, strides = array<i32>} : memref<8448xf32, #tpu.memory_space<vmem>>, vector<16xf32>,
      }
    }
    %while3A_47 = arith.constant 1 : i32
    scf.for %while3A_48 = %while3A_45 to %while3A_41 step %while3A_47  : i32 {
      %mul3A_49 = arith.constant 200 : i32
      %mul3A_50 = arith.muli %while3A_48, %mul3A_49 : i32
      %add3A_51 = arith.addi %squeeze3A, %mul3A_50 : i32
      %min3A = arith.constant 99800 : i32
      %min3A_52 = arith.minsi %add3A_51, %min3A : i32
      %multiple_of3A_53 = tpu.assume_multiple %min3A_52, 8 : i32
      %sub3A_54 = arith.subi %add3A_51, %multiple_of3A_53 : i32
      %mul3A_55 = arith.constant 200 : i32
      %mul3A_56 = arith.muli %while3A_48, %mul3A_55 : i32
      %sub3A_57 = arith.subi %squeeze3A_6, %mul3A_56 : i32
      %min3A_58 = arith.constant 200 : i32
      %min3A_59 = arith.minsi %sub3A_57, %min3A_58 : i32
      %mul3A_60 = arith.constant 128 : i32
      %mul3A_61 = arith.muli %multiple_of3A_53, %mul3A_60 : i32
      %multiple_of3A_62 = tpu.assume_multiple %mul3A_61, 8 : i32
      "tpu.region"() ({
        %run_scoped3A = tpu.sem_alloc : memref<!tpu.dma_semaphore, #tpu.memory_space<semaphore_mem>>
        %dma_start3A = tpu.memref_slice %arg2[%multiple_of3A_62] : memref<12800000xf32, #tpu.memory_space<hbm>> -> memref<25600xf32, #tpu.memory_space<hbm>>
        %dma_start3A_79 = tpu.memref_slice %arg2[%multiple_of3A_62] : memref<12800000xf32, #tpu.memory_space<hbm>> -> memref<25600xf32, #tpu.memory_space<hbm>>
        tpu.enqueue_dma source(%dma_start3A_79 : memref<25600xf32, #tpu.memory_space<hbm>>) target(%arg8 : memref<25600xf32, #tpu.memory_space<vmem>>) target_semaphore(%run_scoped3A : memref<!tpu.dma_semaphore, #tpu.memory_space<semaphore_mem>>)
        %dma_wait3A = tpu.memref_slice %arg2[%multiple_of3A_62] : memref<12800000xf32, #tpu.memory_space<hbm>> -> memref<25600xf32, #tpu.memory_space<hbm>>
        %dma_wait3A_80 = tpu.memref_slice %arg2[%multiple_of3A_62] : memref<12800000xf32, #tpu.memory_space<hbm>> -> memref<25600xf32, #tpu.memory_space<hbm>>
        tpu.wait_dma2 semaphore(%run_scoped3A : memref<!tpu.dma_semaphore, #tpu.memory_space<semaphore_mem>>) src(%dma_wait3A_80 : memref<25600xf32, #tpu.memory_space<hbm>>) dst(%arg8 : memref<25600xf32, #tpu.memory_space<vmem>>)
        tpu.yield
      }) : () -> ()
      %mul3A_63 = arith.constant 16 : i32
      %mul3A_64 = arith.muli %multiple_of3A_53, %mul3A_63 : i32
      %multiple_of3A_65 = tpu.assume_multiple %mul3A_64, 8 : i32
      "tpu.region"() ({
        %run_scoped3A = tpu.sem_alloc : memref<!tpu.dma_semaphore, #tpu.memory_space<semaphore_mem>>
        %dma_start3A = tpu.memref_slice %arg3[%multiple_of3A_65] : memref<1600000xf32, #tpu.memory_space<hbm>> -> memref<3200xf32, #tpu.memory_space<hbm>>
        %dma_start3A_79 = tpu.memref_slice %arg3[%multiple_of3A_65] : memref<1600000xf32, #tpu.memory_space<hbm>> -> memref<3200xf32, #tpu.memory_space<hbm>>
        tpu.enqueue_dma source(%dma_start3A_79 : memref<3200xf32, #tpu.memory_space<hbm>>) target(%arg9 : memref<3200xf32, #tpu.memory_space<vmem>>) target_semaphore(%run_scoped3A : memref<!tpu.dma_semaphore, #tpu.memory_space<semaphore_mem>>)
        %dma_wait3A = tpu.memref_slice %arg3[%multiple_of3A_65] : memref<1600000xf32, #tpu.memory_space<hbm>> -> memref<3200xf32, #tpu.memory_space<hbm>>
        %dma_wait3A_80 = tpu.memref_slice %arg3[%multiple_of3A_65] : memref<1600000xf32, #tpu.memory_space<hbm>> -> memref<3200xf32, #tpu.memory_space<hbm>>
        tpu.wait_dma2 semaphore(%run_scoped3A : memref<!tpu.dma_semaphore, #tpu.memory_space<semaphore_mem>>) src(%dma_wait3A_80 : memref<3200xf32, #tpu.memory_space<hbm>>) dst(%arg9 : memref<3200xf32, #tpu.memory_space<vmem>>)
        tpu.yield
      }) : () -> ()
      %mul3A_66 = arith.constant 16 : i32
      %mul3A_67 = arith.muli %multiple_of3A_53, %mul3A_66 : i32
      %multiple_of3A_68 = tpu.assume_multiple %mul3A_67, 8 : i32
      "tpu.region"() ({
        %run_scoped3A = tpu.sem_alloc : memref<!tpu.dma_semaphore, #tpu.memory_space<semaphore_mem>>
        %dma_start3A = tpu.memref_slice %arg4[%multiple_of3A_68] : memref<1600000xi32, #tpu.memory_space<hbm>> -> memref<3200xi32, #tpu.memory_space<hbm>>
        %dma_start3A_79 = tpu.memref_slice %arg4[%multiple_of3A_68] : memref<1600000xi32, #tpu.memory_space<hbm>> -> memref<3200xi32, #tpu.memory_space<hbm>>
        tpu.enqueue_dma source(%dma_start3A_79 : memref<3200xi32, #tpu.memory_space<hbm>>) target(%arg10 : memref<3200xi32, #tpu.memory_space<vmem>>) target_semaphore(%run_scoped3A : memref<!tpu.dma_semaphore, #tpu.memory_space<semaphore_mem>>)
        %dma_wait3A = tpu.memref_slice %arg4[%multiple_of3A_68] : memref<1600000xi32, #tpu.memory_space<hbm>> -> memref<3200xi32, #tpu.memory_space<hbm>>
        %dma_wait3A_80 = tpu.memref_slice %arg4[%multiple_of3A_68] : memref<1600000xi32, #tpu.memory_space<hbm>> -> memref<3200xi32, #tpu.memory_space<hbm>>
        tpu.wait_dma2 semaphore(%run_scoped3A : memref<!tpu.dma_semaphore, #tpu.memory_space<semaphore_mem>>) src(%dma_wait3A_80 : memref<3200xi32, #tpu.memory_space<hbm>>) dst(%arg10 : memref<3200xi32, #tpu.memory_space<vmem>>)
        tpu.yield
      }) : () -> ()
      %while3A_69 = arith.constant 0 : i32
      %while3A_70 = arith.constant 0 : i32
      %while3A_71 = arith.subi %min3A_59, %while3A_70 : i32
      %while3A_72 = arith.addi %while3A_70, %while3A_71 : i32
      %while3A_73 = arith.constant 1 : i32
      %while3A_74 = arith.divsi %while3A_71, %while3A_73 : i32
      %while3A_75 = arith.muli %while3A_74, %while3A_73 : i32
      %while3A_76 = arith.addi %while3A_70, %while3A_75 : i32
      %while3A_77 = arith.constant 1 : i32
      scf.for %while3A_79 = %while3A_70 to %while3A_76 step %while3A_77  : i32 {
        %add3A_80 = arith.addi %while3A_79, %sub3A_54 : i32
        %mul3A_81 = arith.constant 16 : i32
        %mul3A_82 = arith.muli %add3A_80, %mul3A_81 : i32
        %multiple_of3A_83 = tpu.assume_multiple %mul3A_82, 8 : i32
        %get3A_84 = arith.index_cast %multiple_of3A_83 : i32 to index
        %get3A_85 = tpu.vector_load %arg9[%get3A_84] {strides = array<i32>} : memref<3200xf32, #tpu.memory_space<vmem>>, vector<16xf32>,
        %get3A_86 = vector.shape_cast %get3A_85 : vector<16xf32> to vector<16xf32>
        %mul3A_87 = arith.constant 16 : i32
        %mul3A_88 = arith.muli %add3A_80, %mul3A_87 : i32
        %multiple_of3A_89 = tpu.assume_multiple %mul3A_88, 8 : i32
        %get3A_90 = arith.index_cast %multiple_of3A_89 : i32 to index
        %get3A_91 = tpu.vector_load %arg10[%get3A_90] {strides = array<i32>} : memref<3200xi32, #tpu.memory_space<vmem>>, vector<16xi32>,
        %get3A_92 = vector.shape_cast %get3A_91 : vector<16xi32> to vector<16xi32>
        %slice3A_93 = vector.extract_strided_slice %get3A_92 {offsets = [0], sizes = [1], strides = [1]} : vector<16xi32> to vector<1xi32>
        %squeeze3A_94 = vector.extract %slice3A_93[0] : i32 from vector<1xi32>
        %mul3A_95 = arith.constant 128 : i32
        %mul3A_96 = arith.muli %add3A_80, %mul3A_95 : i32
        %add3A_97 = arith.constant 0 : i32
        %add3A_98 = arith.addi %mul3A_96, %add3A_97 : i32
        %multiple_of3A_99 = tpu.assume_multiple %add3A_98, 8 : i32
        %get3A_100 = arith.index_cast %multiple_of3A_99 : i32 to index
        %get3A_101 = tpu.vector_load %arg8[%get3A_100] {strides = array<i32>} : memref<25600xf32, #tpu.memory_space<vmem>>, vector<16xf32>,
        %get3A_102 = vector.shape_cast %get3A_101 : vector<16xf32> to vector<16xf32>
        %mul3A_103 = arith.constant 128 : i32
        %mul3A_104 = arith.muli %squeeze3A_94, %mul3A_103 : i32
        %add3A_105 = arith.constant 0 : i32
        %add3A_106 = arith.addi %mul3A_104, %add3A_105 : i32
        %multiple_of3A_107 = tpu.assume_multiple %add3A_106, 8 : i32
        %mul3A_108 = arith.mulf %get3A_102, %get3A_86 : vector<16xf32>
        %swap3A = arith.index_cast %multiple_of3A_107 : i32 to index
        %swap3A_109 = tpu.vector_load %arg11[%swap3A] {strides = array<i32>} : memref<67584xf32, #tpu.memory_space<vmem>>, vector<16xf32>,
        %swap3A_110 = vector.shape_cast %swap3A_109 : vector<16xf32> to vector<16xf32>
        %swap3A_111 = vector.shape_cast %mul3A_108 : vector<16xf32> to vector<16xf32>
        tpu.vector_store %arg11[%swap3A], %swap3A_111 {add = true, strides = array<i32>} : memref<67584xf32, #tpu.memory_space<vmem>>, vector<16xf32>,
        %mul3A_112 = arith.constant 128 : i32
        %mul3A_113 = arith.muli %add3A_80, %mul3A_112 : i32
        %add3A_114 = arith.constant 16 : i32
        %add3A_115 = arith.addi %mul3A_113, %add3A_114 : i32
        %multiple_of3A_116 = tpu.assume_multiple %add3A_115, 8 : i32
        %get3A_117 = arith.index_cast %multiple_of3A_116 : i32 to index
        %get3A_118 = tpu.vector_load %arg8[%get3A_117] {strides = array<i32>} : memref<25600xf32, #tpu.memory_space<vmem>>, vector<16xf32>,
        %get3A_119 = vector.shape_cast %get3A_118 : vector<16xf32> to vector<16xf32>
        %mul3A_120 = arith.constant 128 : i32
        %mul3A_121 = arith.muli %squeeze3A_94, %mul3A_120 : i32
        %add3A_122 = arith.constant 16 : i32
        %add3A_123 = arith.addi %mul3A_121, %add3A_122 : i32
        %multiple_of3A_124 = tpu.assume_multiple %add3A_123, 8 : i32
        %mul3A_125 = arith.mulf %get3A_119, %get3A_86 : vector<16xf32>
        %swap3A_126 = arith.index_cast %multiple_of3A_124 : i32 to index
        %swap3A_127 = tpu.vector_load %arg11[%swap3A_126] {strides = array<i32>} : memref<67584xf32, #tpu.memory_space<vmem>>, vector<16xf32>,
        %swap3A_128 = vector.shape_cast %swap3A_127 : vector<16xf32> to vector<16xf32>
        %swap3A_129 = vector.shape_cast %mul3A_125 : vector<16xf32> to vector<16xf32>
        tpu.vector_store %arg11[%swap3A_126], %swap3A_129 {add = true, strides = array<i32>} : memref<67584xf32, #tpu.memory_space<vmem>>, vector<16xf32>,
        %mul3A_130 = arith.constant 128 : i32
        %mul3A_131 = arith.muli %add3A_80, %mul3A_130 : i32
        %add3A_132 = arith.constant 32 : i32
        %add3A_133 = arith.addi %mul3A_131, %add3A_132 : i32
        %multiple_of3A_134 = tpu.assume_multiple %add3A_133, 8 : i32
        %get3A_135 = arith.index_cast %multiple_of3A_134 : i32 to index
        %get3A_136 = tpu.vector_load %arg8[%get3A_135] {strides = array<i32>} : memref<25600xf32, #tpu.memory_space<vmem>>, vector<16xf32>,
        %get3A_137 = vector.shape_cast %get3A_136 : vector<16xf32> to vector<16xf32>
        %mul3A_138 = arith.constant 128 : i32
        %mul3A_139 = arith.muli %squeeze3A_94, %mul3A_138 : i32
        %add3A_140 = arith.constant 32 : i32
        %add3A_141 = arith.addi %mul3A_139, %add3A_140 : i32
        %multiple_of3A_142 = tpu.assume_multiple %add3A_141, 8 : i32
        %mul3A_143 = arith.mulf %get3A_137, %get3A_86 : vector<16xf32>
        %swap3A_144 = arith.index_cast %multiple_of3A_142 : i32 to index
        %swap3A_145 = tpu.vector_load %arg11[%swap3A_144] {strides = array<i32>} : memref<67584xf32, #tpu.memory_space<vmem>>, vector<16xf32>,
        %swap3A_146 = vector.shape_cast %swap3A_145 : vector<16xf32> to vector<16xf32>
        %swap3A_147 = vector.shape_cast %mul3A_143 : vector<16xf32> to vector<16xf32>
        tpu.vector_store %arg11[%swap3A_144], %swap3A_147 {add = true, strides = array<i32>} : memref<67584xf32, #tpu.memory_space<vmem>>, vector<16xf32>,
        %mul3A_148 = arith.constant 128 : i32
        %mul3A_149 = arith.muli %add3A_80, %mul3A_148 : i32
        %add3A_150 = arith.constant 48 : i32
        %add3A_151 = arith.addi %mul3A_149, %add3A_150 : i32
        %multiple_of3A_152 = tpu.assume_multiple %add3A_151, 8 : i32
        %get3A_153 = arith.index_cast %multiple_of3A_152 : i32 to index
        %get3A_154 = tpu.vector_load %arg8[%get3A_153] {strides = array<i32>} : memref<25600xf32, #tpu.memory_space<vmem>>, vector<16xf32>,
        %get3A_155 = vector.shape_cast %get3A_154 : vector<16xf32> to vector<16xf32>
        %mul3A_156 = arith.constant 128 : i32
        %mul3A_157 = arith.muli %squeeze3A_94, %mul3A_156 : i32
        %add3A_158 = arith.constant 48 : i32
        %add3A_159 = arith.addi %mul3A_157, %add3A_158 : i32
        %multiple_of3A_160 = tpu.assume_multiple %add3A_159, 8 : i32
        %mul3A_161 = arith.mulf %get3A_155, %get3A_86 : vector<16xf32>
        %swap3A_162 = arith.index_cast %multiple_of3A_160 : i32 to index
        %swap3A_163 = tpu.vector_load %arg11[%swap3A_162] {strides = array<i32>} : memref<67584xf32, #tpu.memory_space<vmem>>, vector<16xf32>,
        %swap3A_164 = vector.shape_cast %swap3A_163 : vector<16xf32> to vector<16xf32>
        %swap3A_165 = vector.shape_cast %mul3A_161 : vector<16xf32> to vector<16xf32>
        tpu.vector_store %arg11[%swap3A_162], %swap3A_165 {add = true, strides = array<i32>} : memref<67584xf32, #tpu.memory_space<vmem>>, vector<16xf32>,
        %mul3A_166 = arith.constant 128 : i32
        %mul3A_167 = arith.muli %add3A_80, %mul3A_166 : i32
        %add3A_168 = arith.constant 64 : i32
        %add3A_169 = arith.addi %mul3A_167, %add3A_168 : i32
        %multiple_of3A_170 = tpu.assume_multiple %add3A_169, 8 : i32
        %get3A_171 = arith.index_cast %multiple_of3A_170 : i32 to index
        %get3A_172 = tpu.vector_load %arg8[%get3A_171] {strides = array<i32>} : memref<25600xf32, #tpu.memory_space<vmem>>, vector<16xf32>,
        %get3A_173 = vector.shape_cast %get3A_172 : vector<16xf32> to vector<16xf32>
        %mul3A_174 = arith.constant 128 : i32
        %mul3A_175 = arith.muli %squeeze3A_94, %mul3A_174 : i32
        %add3A_176 = arith.constant 64 : i32
        %add3A_177 = arith.addi %mul3A_175, %add3A_176 : i32
        %multiple_of3A_178 = tpu.assume_multiple %add3A_177, 8 : i32
        %mul3A_179 = arith.mulf %get3A_173, %get3A_86 : vector<16xf32>
        %swap3A_180 = arith.index_cast %multiple_of3A_178 : i32 to index
        %swap3A_181 = tpu.vector_load %arg11[%swap3A_180] {strides = array<i32>} : memref<67584xf32, #tpu.memory_space<vmem>>, vector<16xf32>,
        %swap3A_182 = vector.shape_cast %swap3A_181 : vector<16xf32> to vector<16xf32>
        %swap3A_183 = vector.shape_cast %mul3A_179 : vector<16xf32> to vector<16xf32>
        tpu.vector_store %arg11[%swap3A_180], %swap3A_183 {add = true, strides = array<i32>} : memref<67584xf32, #tpu.memory_space<vmem>>, vector<16xf32>,
        %mul3A_184 = arith.constant 128 : i32
        %mul3A_185 = arith.muli %add3A_80, %mul3A_184 : i32
        %add3A_186 = arith.constant 80 : i32
        %add3A_187 = arith.addi %mul3A_185, %add3A_186 : i32
        %multiple_of3A_188 = tpu.assume_multiple %add3A_187, 8 : i32
        %get3A_189 = arith.index_cast %multiple_of3A_188 : i32 to index
        %get3A_190 = tpu.vector_load %arg8[%get3A_189] {strides = array<i32>} : memref<25600xf32, #tpu.memory_space<vmem>>, vector<16xf32>,
        %get3A_191 = vector.shape_cast %get3A_190 : vector<16xf32> to vector<16xf32>
        %mul3A_192 = arith.constant 128 : i32
        %mul3A_193 = arith.muli %squeeze3A_94, %mul3A_192 : i32
        %add3A_194 = arith.constant 80 : i32
        %add3A_195 = arith.addi %mul3A_193, %add3A_194 : i32
        %multiple_of3A_196 = tpu.assume_multiple %add3A_195, 8 : i32
        %mul3A_197 = arith.mulf %get3A_191, %get3A_86 : vector<16xf32>
        %swap3A_198 = arith.index_cast %multiple_of3A_196 : i32 to index
        %swap3A_199 = tpu.vector_load %arg11[%swap3A_198] {strides = array<i32>} : memref<67584xf32, #tpu.memory_space<vmem>>, vector<16xf32>,
        %swap3A_200 = vector.shape_cast %swap3A_199 : vector<16xf32> to vector<16xf32>
        %swap3A_201 = vector.shape_cast %mul3A_197 : vector<16xf32> to vector<16xf32>
        tpu.vector_store %arg11[%swap3A_198], %swap3A_201 {add = true, strides = array<i32>} : memref<67584xf32, #tpu.memory_space<vmem>>, vector<16xf32>,
        %mul3A_202 = arith.constant 128 : i32
        %mul3A_203 = arith.muli %add3A_80, %mul3A_202 : i32
        %add3A_204 = arith.constant 96 : i32
        %add3A_205 = arith.addi %mul3A_203, %add3A_204 : i32
        %multiple_of3A_206 = tpu.assume_multiple %add3A_205, 8 : i32
        %get3A_207 = arith.index_cast %multiple_of3A_206 : i32 to index
        %get3A_208 = tpu.vector_load %arg8[%get3A_207] {strides = array<i32>} : memref<25600xf32, #tpu.memory_space<vmem>>, vector<16xf32>,
        %get3A_209 = vector.shape_cast %get3A_208 : vector<16xf32> to vector<16xf32>
        %mul3A_210 = arith.constant 128 : i32
        %mul3A_211 = arith.muli %squeeze3A_94, %mul3A_210 : i32
        %add3A_212 = arith.constant 96 : i32
        %add3A_213 = arith.addi %mul3A_211, %add3A_212 : i32
        %multiple_of3A_214 = tpu.assume_multiple %add3A_213, 8 : i32
        %mul3A_215 = arith.mulf %get3A_209, %get3A_86 : vector<16xf32>
        %swap3A_216 = arith.index_cast %multiple_of3A_214 : i32 to index
        %swap3A_217 = tpu.vector_load %arg11[%swap3A_216] {strides = array<i32>} : memref<67584xf32, #tpu.memory_space<vmem>>, vector<16xf32>,
        %swap3A_218 = vector.shape_cast %swap3A_217 : vector<16xf32> to vector<16xf32>
        %swap3A_219 = vector.shape_cast %mul3A_215 : vector<16xf32> to vector<16xf32>
        tpu.vector_store %arg11[%swap3A_216], %swap3A_219 {add = true, strides = array<i32>} : memref<67584xf32, #tpu.memory_space<vmem>>, vector<16xf32>,
        %mul3A_220 = arith.constant 128 : i32
        %mul3A_221 = arith.muli %add3A_80, %mul3A_220 : i32
        %add3A_222 = arith.constant 112 : i32
        %add3A_223 = arith.addi %mul3A_221, %add3A_222 : i32
        %multiple_of3A_224 = tpu.assume_multiple %add3A_223, 8 : i32
        %get3A_225 = arith.index_cast %multiple_of3A_224 : i32 to index
        %get3A_226 = tpu.vector_load %arg8[%get3A_225] {strides = array<i32>} : memref<25600xf32, #tpu.memory_space<vmem>>, vector<16xf32>,
        %get3A_227 = vector.shape_cast %get3A_226 : vector<16xf32> to vector<16xf32>
        %mul3A_228 = arith.constant 128 : i32
        %mul3A_229 = arith.muli %squeeze3A_94, %mul3A_228 : i32
        %add3A_230 = arith.constant 112 : i32
        %add3A_231 = arith.addi %mul3A_229, %add3A_230 : i32
        %multiple_of3A_232 = tpu.assume_multiple %add3A_231, 8 : i32
        %mul3A_233 = arith.mulf %get3A_227, %get3A_86 : vector<16xf32>
        %swap3A_234 = arith.index_cast %multiple_of3A_232 : i32 to index
        %swap3A_235 = tpu.vector_load %arg11[%swap3A_234] {strides = array<i32>} : memref<67584xf32, #tpu.memory_space<vmem>>, vector<16xf32>,
        %swap3A_236 = vector.shape_cast %swap3A_235 : vector<16xf32> to vector<16xf32>
        %swap3A_237 = vector.shape_cast %mul3A_233 : vector<16xf32> to vector<16xf32>
        tpu.vector_store %arg11[%swap3A_234], %swap3A_237 {add = true, strides = array<i32>} : memref<67584xf32, #tpu.memory_space<vmem>>, vector<16xf32>,
        %mul3A_238 = arith.constant 16 : i32
        %mul3A_239 = arith.muli %squeeze3A_94, %mul3A_238 : i32
        %multiple_of3A_240 = tpu.assume_multiple %mul3A_239, 8 : i32
        %swap3A_241 = arith.index_cast %multiple_of3A_240 : i32 to index
        %swap3A_242 = tpu.vector_load %arg12[%swap3A_241] {strides = array<i32>} : memref<8448xf32, #tpu.memory_space<vmem>>, vector<16xf32>,
        %swap3A_243 = vector.shape_cast %swap3A_242 : vector<16xf32> to vector<16xf32>
        %swap3A_244 = vector.shape_cast %get3A_86 : vector<16xf32> to vector<16xf32>
        tpu.vector_store %arg12[%swap3A_241], %swap3A_244 {add = true, strides = array<i32>} : memref<8448xf32, #tpu.memory_space<vmem>>, vector<16xf32>,
      }
      %while3A_78 = arith.constant 1 : i32
      scf.for %while3A_79 = %while3A_76 to %while3A_72 step %while3A_78  : i32 {
        %add3A_80 = arith.addi %while3A_79, %sub3A_54 : i32
        %mul3A_81 = arith.constant 16 : i32
        %mul3A_82 = arith.muli %add3A_80, %mul3A_81 : i32
        %multiple_of3A_83 = tpu.assume_multiple %mul3A_82, 8 : i32
        %get3A_84 = arith.index_cast %multiple_of3A_83 : i32 to index
        %get3A_85 = tpu.vector_load %arg9[%get3A_84] {strides = array<i32>} : memref<3200xf32, #tpu.memory_space<vmem>>, vector<16xf32>,
        %get3A_86 = vector.shape_cast %get3A_85 : vector<16xf32> to vector<16xf32>
        %mul3A_87 = arith.constant 16 : i32
        %mul3A_88 = arith.muli %add3A_80, %mul3A_87 : i32
        %multiple_of3A_89 = tpu.assume_multiple %mul3A_88, 8 : i32
        %get3A_90 = arith.index_cast %multiple_of3A_89 : i32 to index
        %get3A_91 = tpu.vector_load %arg10[%get3A_90] {strides = array<i32>} : memref<3200xi32, #tpu.memory_space<vmem>>, vector<16xi32>,
        %get3A_92 = vector.shape_cast %get3A_91 : vector<16xi32> to vector<16xi32>
        %slice3A_93 = vector.extract_strided_slice %get3A_92 {offsets = [0], sizes = [1], strides = [1]} : vector<16xi32> to vector<1xi32>
        %squeeze3A_94 = vector.extract %slice3A_93[0] : i32 from vector<1xi32>
        %mul3A_95 = arith.constant 128 : i32
        %mul3A_96 = arith.muli %add3A_80, %mul3A_95 : i32
        %add3A_97 = arith.constant 0 : i32
        %add3A_98 = arith.addi %mul3A_96, %add3A_97 : i32
        %multiple_of3A_99 = tpu.assume_multiple %add3A_98, 8 : i32
        %get3A_100 = arith.index_cast %multiple_of3A_99 : i32 to index
        %get3A_101 = tpu.vector_load %arg8[%get3A_100] {strides = array<i32>} : memref<25600xf32, #tpu.memory_space<vmem>>, vector<16xf32>,
        %get3A_102 = vector.shape_cast %get3A_101 : vector<16xf32> to vector<16xf32>
        %mul3A_103 = arith.constant 128 : i32
        %mul3A_104 = arith.muli %squeeze3A_94, %mul3A_103 : i32
        %add3A_105 = arith.constant 0 : i32
        %add3A_106 = arith.addi %mul3A_104, %add3A_105 : i32
        %multiple_of3A_107 = tpu.assume_multiple %add3A_106, 8 : i32
        %mul3A_108 = arith.mulf %get3A_102, %get3A_86 : vector<16xf32>
        %swap3A = arith.index_cast %multiple_of3A_107 : i32 to index
        %swap3A_109 = tpu.vector_load %arg11[%swap3A] {strides = array<i32>} : memref<67584xf32, #tpu.memory_space<vmem>>, vector<16xf32>,
        %swap3A_110 = vector.shape_cast %swap3A_109 : vector<16xf32> to vector<16xf32>
        %swap3A_111 = vector.shape_cast %mul3A_108 : vector<16xf32> to vector<16xf32>
        tpu.vector_store %arg11[%swap3A], %swap3A_111 {add = true, strides = array<i32>} : memref<67584xf32, #tpu.memory_space<vmem>>, vector<16xf32>,
        %mul3A_112 = arith.constant 128 : i32
        %mul3A_113 = arith.muli %add3A_80, %mul3A_112 : i32
        %add3A_114 = arith.constant 16 : i32
        %add3A_115 = arith.addi %mul3A_113, %add3A_114 : i32
        %multiple_of3A_116 = tpu.assume_multiple %add3A_115, 8 : i32
        %get3A_117 = arith.index_cast %multiple_of3A_116 : i32 to index
        %get3A_118 = tpu.vector_load %arg8[%get3A_117] {strides = array<i32>} : memref<25600xf32, #tpu.memory_space<vmem>>, vector<16xf32>,
        %get3A_119 = vector.shape_cast %get3A_118 : vector<16xf32> to vector<16xf32>
        %mul3A_120 = arith.constant 128 : i32
        %mul3A_121 = arith.muli %squeeze3A_94, %mul3A_120 : i32
        %add3A_122 = arith.constant 16 : i32
        %add3A_123 = arith.addi %mul3A_121, %add3A_122 : i32
        %multiple_of3A_124 = tpu.assume_multiple %add3A_123, 8 : i32
        %mul3A_125 = arith.mulf %get3A_119, %get3A_86 : vector<16xf32>
        %swap3A_126 = arith.index_cast %multiple_of3A_124 : i32 to index
        %swap3A_127 = tpu.vector_load %arg11[%swap3A_126] {strides = array<i32>} : memref<67584xf32, #tpu.memory_space<vmem>>, vector<16xf32>,
        %swap3A_128 = vector.shape_cast %swap3A_127 : vector<16xf32> to vector<16xf32>
        %swap3A_129 = vector.shape_cast %mul3A_125 : vector<16xf32> to vector<16xf32>
        tpu.vector_store %arg11[%swap3A_126], %swap3A_129 {add = true, strides = array<i32>} : memref<67584xf32, #tpu.memory_space<vmem>>, vector<16xf32>,
        %mul3A_130 = arith.constant 128 : i32
        %mul3A_131 = arith.muli %add3A_80, %mul3A_130 : i32
        %add3A_132 = arith.constant 32 : i32
        %add3A_133 = arith.addi %mul3A_131, %add3A_132 : i32
        %multiple_of3A_134 = tpu.assume_multiple %add3A_133, 8 : i32
        %get3A_135 = arith.index_cast %multiple_of3A_134 : i32 to index
        %get3A_136 = tpu.vector_load %arg8[%get3A_135] {strides = array<i32>} : memref<25600xf32, #tpu.memory_space<vmem>>, vector<16xf32>,
        %get3A_137 = vector.shape_cast %get3A_136 : vector<16xf32> to vector<16xf32>
        %mul3A_138 = arith.constant 128 : i32
        %mul3A_139 = arith.muli %squeeze3A_94, %mul3A_138 : i32
        %add3A_140 = arith.constant 32 : i32
        %add3A_141 = arith.addi %mul3A_139, %add3A_140 : i32
        %multiple_of3A_142 = tpu.assume_multiple %add3A_141, 8 : i32
        %mul3A_143 = arith.mulf %get3A_137, %get3A_86 : vector<16xf32>
        %swap3A_144 = arith.index_cast %multiple_of3A_142 : i32 to index
        %swap3A_145 = tpu.vector_load %arg11[%swap3A_144] {strides = array<i32>} : memref<67584xf32, #tpu.memory_space<vmem>>, vector<16xf32>,
        %swap3A_146 = vector.shape_cast %swap3A_145 : vector<16xf32> to vector<16xf32>
        %swap3A_147 = vector.shape_cast %mul3A_143 : vector<16xf32> to vector<16xf32>
        tpu.vector_store %arg11[%swap3A_144], %swap3A_147 {add = true, strides = array<i32>} : memref<67584xf32, #tpu.memory_space<vmem>>, vector<16xf32>,
        %mul3A_148 = arith.constant 128 : i32
        %mul3A_149 = arith.muli %add3A_80, %mul3A_148 : i32
        %add3A_150 = arith.constant 48 : i32
        %add3A_151 = arith.addi %mul3A_149, %add3A_150 : i32
        %multiple_of3A_152 = tpu.assume_multiple %add3A_151, 8 : i32
        %get3A_153 = arith.index_cast %multiple_of3A_152 : i32 to index
        %get3A_154 = tpu.vector_load %arg8[%get3A_153] {strides = array<i32>} : memref<25600xf32, #tpu.memory_space<vmem>>, vector<16xf32>,
        %get3A_155 = vector.shape_cast %get3A_154 : vector<16xf32> to vector<16xf32>
        %mul3A_156 = arith.constant 128 : i32
        %mul3A_157 = arith.muli %squeeze3A_94, %mul3A_156 : i32
        %add3A_158 = arith.constant 48 : i32
        %add3A_159 = arith.addi %mul3A_157, %add3A_158 : i32
        %multiple_of3A_160 = tpu.assume_multiple %add3A_159, 8 : i32
        %mul3A_161 = arith.mulf %get3A_155, %get3A_86 : vector<16xf32>
        %swap3A_162 = arith.index_cast %multiple_of3A_160 : i32 to index
        %swap3A_163 = tpu.vector_load %arg11[%swap3A_162] {strides = array<i32>} : memref<67584xf32, #tpu.memory_space<vmem>>, vector<16xf32>,
        %swap3A_164 = vector.shape_cast %swap3A_163 : vector<16xf32> to vector<16xf32>
        %swap3A_165 = vector.shape_cast %mul3A_161 : vector<16xf32> to vector<16xf32>
        tpu.vector_store %arg11[%swap3A_162], %swap3A_165 {add = true, strides = array<i32>} : memref<67584xf32, #tpu.memory_space<vmem>>, vector<16xf32>,
        %mul3A_166 = arith.constant 128 : i32
        %mul3A_167 = arith.muli %add3A_80, %mul3A_166 : i32
        %add3A_168 = arith.constant 64 : i32
        %add3A_169 = arith.addi %mul3A_167, %add3A_168 : i32
        %multiple_of3A_170 = tpu.assume_multiple %add3A_169, 8 : i32
        %get3A_171 = arith.index_cast %multiple_of3A_170 : i32 to index
        %get3A_172 = tpu.vector_load %arg8[%get3A_171] {strides = array<i32>} : memref<25600xf32, #tpu.memory_space<vmem>>, vector<16xf32>,
        %get3A_173 = vector.shape_cast %get3A_172 : vector<16xf32> to vector<16xf32>
        %mul3A_174 = arith.constant 128 : i32
        %mul3A_175 = arith.muli %squeeze3A_94, %mul3A_174 : i32
        %add3A_176 = arith.constant 64 : i32
        %add3A_177 = arith.addi %mul3A_175, %add3A_176 : i32
        %multiple_of3A_178 = tpu.assume_multiple %add3A_177, 8 : i32
        %mul3A_179 = arith.mulf %get3A_173, %get3A_86 : vector<16xf32>
        %swap3A_180 = arith.index_cast %multiple_of3A_178 : i32 to index
        %swap3A_181 = tpu.vector_load %arg11[%swap3A_180] {strides = array<i32>} : memref<67584xf32, #tpu.memory_space<vmem>>, vector<16xf32>,
        %swap3A_182 = vector.shape_cast %swap3A_181 : vector<16xf32> to vector<16xf32>
        %swap3A_183 = vector.shape_cast %mul3A_179 : vector<16xf32> to vector<16xf32>
        tpu.vector_store %arg11[%swap3A_180], %swap3A_183 {add = true, strides = array<i32>} : memref<67584xf32, #tpu.memory_space<vmem>>, vector<16xf32>,
        %mul3A_184 = arith.constant 128 : i32
        %mul3A_185 = arith.muli %add3A_80, %mul3A_184 : i32
        %add3A_186 = arith.constant 80 : i32
        %add3A_187 = arith.addi %mul3A_185, %add3A_186 : i32
        %multiple_of3A_188 = tpu.assume_multiple %add3A_187, 8 : i32
        %get3A_189 = arith.index_cast %multiple_of3A_188 : i32 to index
        %get3A_190 = tpu.vector_load %arg8[%get3A_189] {strides = array<i32>} : memref<25600xf32, #tpu.memory_space<vmem>>, vector<16xf32>,
        %get3A_191 = vector.shape_cast %get3A_190 : vector<16xf32> to vector<16xf32>
        %mul3A_192 = arith.constant 128 : i32
        %mul3A_193 = arith.muli %squeeze3A_94, %mul3A_192 : i32
        %add3A_194 = arith.constant 80 : i32
        %add3A_195 = arith.addi %mul3A_193, %add3A_194 : i32
        %multiple_of3A_196 = tpu.assume_multiple %add3A_195, 8 : i32
        %mul3A_197 = arith.mulf %get3A_191, %get3A_86 : vector<16xf32>
        %swap3A_198 = arith.index_cast %multiple_of3A_196 : i32 to index
        %swap3A_199 = tpu.vector_load %arg11[%swap3A_198] {strides = array<i32>} : memref<67584xf32, #tpu.memory_space<vmem>>, vector<16xf32>,
        %swap3A_200 = vector.shape_cast %swap3A_199 : vector<16xf32> to vector<16xf32>
        %swap3A_201 = vector.shape_cast %mul3A_197 : vector<16xf32> to vector<16xf32>
        tpu.vector_store %arg11[%swap3A_198], %swap3A_201 {add = true, strides = array<i32>} : memref<67584xf32, #tpu.memory_space<vmem>>, vector<16xf32>,
        %mul3A_202 = arith.constant 128 : i32
        %mul3A_203 = arith.muli %add3A_80, %mul3A_202 : i32
        %add3A_204 = arith.constant 96 : i32
        %add3A_205 = arith.addi %mul3A_203, %add3A_204 : i32
        %multiple_of3A_206 = tpu.assume_multiple %add3A_205, 8 : i32
        %get3A_207 = arith.index_cast %multiple_of3A_206 : i32 to index
        %get3A_208 = tpu.vector_load %arg8[%get3A_207] {strides = array<i32>} : memref<25600xf32, #tpu.memory_space<vmem>>, vector<16xf32>,
        %get3A_209 = vector.shape_cast %get3A_208 : vector<16xf32> to vector<16xf32>
        %mul3A_210 = arith.constant 128 : i32
        %mul3A_211 = arith.muli %squeeze3A_94, %mul3A_210 : i32
        %add3A_212 = arith.constant 96 : i32
        %add3A_213 = arith.addi %mul3A_211, %add3A_212 : i32
        %multiple_of3A_214 = tpu.assume_multiple %add3A_213, 8 : i32
        %mul3A_215 = arith.mulf %get3A_209, %get3A_86 : vector<16xf32>
        %swap3A_216 = arith.index_cast %multiple_of3A_214 : i32 to index
        %swap3A_217 = tpu.vector_load %arg11[%swap3A_216] {strides = array<i32>} : memref<67584xf32, #tpu.memory_space<vmem>>, vector<16xf32>,
        %swap3A_218 = vector.shape_cast %swap3A_217 : vector<16xf32> to vector<16xf32>
        %swap3A_219 = vector.shape_cast %mul3A_215 : vector<16xf32> to vector<16xf32>
        tpu.vector_store %arg11[%swap3A_216], %swap3A_219 {add = true, strides = array<i32>} : memref<67584xf32, #tpu.memory_space<vmem>>, vector<16xf32>,
        %mul3A_220 = arith.constant 128 : i32
        %mul3A_221 = arith.muli %add3A_80, %mul3A_220 : i32
        %add3A_222 = arith.constant 112 : i32
        %add3A_223 = arith.addi %mul3A_221, %add3A_222 : i32
        %multiple_of3A_224 = tpu.assume_multiple %add3A_223, 8 : i32
        %get3A_225 = arith.index_cast %multiple_of3A_224 : i32 to index
        %get3A_226 = tpu.vector_load %arg8[%get3A_225] {strides = array<i32>} : memref<25600xf32, #tpu.memory_space<vmem>>, vector<16xf32>,
        %get3A_227 = vector.shape_cast %get3A_226 : vector<16xf32> to vector<16xf32>
        %mul3A_228 = arith.constant 128 : i32
        %mul3A_229 = arith.muli %squeeze3A_94, %mul3A_228 : i32
        %add3A_230 = arith.constant 112 : i32
        %add3A_231 = arith.addi %mul3A_229, %add3A_230 : i32
        %multiple_of3A_232 = tpu.assume_multiple %add3A_231, 8 : i32
        %mul3A_233 = arith.mulf %get3A_227, %get3A_86 : vector<16xf32>
        %swap3A_234 = arith.index_cast %multiple_of3A_232 : i32 to index
        %swap3A_235 = tpu.vector_load %arg11[%swap3A_234] {strides = array<i32>} : memref<67584xf32, #tpu.memory_space<vmem>>, vector<16xf32>,
        %swap3A_236 = vector.shape_cast %swap3A_235 : vector<16xf32> to vector<16xf32>
        %swap3A_237 = vector.shape_cast %mul3A_233 : vector<16xf32> to vector<16xf32>
        tpu.vector_store %arg11[%swap3A_234], %swap3A_237 {add = true, strides = array<i32>} : memref<67584xf32, #tpu.memory_space<vmem>>, vector<16xf32>,
        %mul3A_238 = arith.constant 16 : i32
        %mul3A_239 = arith.muli %squeeze3A_94, %mul3A_238 : i32
        %multiple_of3A_240 = tpu.assume_multiple %mul3A_239, 8 : i32
        %swap3A_241 = arith.index_cast %multiple_of3A_240 : i32 to index
        %swap3A_242 = tpu.vector_load %arg12[%swap3A_241] {strides = array<i32>} : memref<8448xf32, #tpu.memory_space<vmem>>, vector<16xf32>,
        %swap3A_243 = vector.shape_cast %swap3A_242 : vector<16xf32> to vector<16xf32>
        %swap3A_244 = vector.shape_cast %get3A_86 : vector<16xf32> to vector<16xf32>
        tpu.vector_store %arg12[%swap3A_241], %swap3A_244 {add = true, strides = array<i32>} : memref<8448xf32, #tpu.memory_space<vmem>>, vector<16xf32>,
      }
    }
    "tpu.region"() ({
      %run_scoped3A = tpu.sem_alloc : memref<!tpu.dma_semaphore, #tpu.memory_space<semaphore_mem>>
      %dma_start3A = arith.constant 0 : i32
      %dma_start3A_48 = tpu.memref_slice %arg6[%add3A, %dma_start3A] : memref<32x67584xf32, #tpu.memory_space<hbm>> -> memref<1x67584xf32, #tpu.memory_space<hbm>>
      %dma_start3A_49 = tpu.memref_squeeze %dma_start3A_48 : memref<1x67584xf32, #tpu.memory_space<hbm>> -> memref<67584xf32, #tpu.memory_space<hbm>>
      %dma_start3A_50 = arith.constant 0 : i32
      %dma_start3A_51 = tpu.memref_slice %arg6[%add3A, %dma_start3A_50] : memref<32x67584xf32, #tpu.memory_space<hbm>> -> memref<1x67584xf32, #tpu.memory_space<hbm>>
      %dma_start3A_52 = tpu.memref_squeeze %dma_start3A_51 : memref<1x67584xf32, #tpu.memory_space<hbm>> -> memref<67584xf32, #tpu.memory_space<hbm>>
      tpu.enqueue_dma source(%arg11 : memref<67584xf32, #tpu.memory_space<vmem>>) target(%dma_start3A_52 : memref<67584xf32, #tpu.memory_space<hbm>>) target_semaphore(%run_scoped3A : memref<!tpu.dma_semaphore, #tpu.memory_space<semaphore_mem>>)
      %dma_wait3A = arith.constant 0 : i32
      %dma_wait3A_53 = tpu.memref_slice %arg6[%add3A, %dma_wait3A] : memref<32x67584xf32, #tpu.memory_space<hbm>> -> memref<1x67584xf32, #tpu.memory_space<hbm>>
      %dma_wait3A_54 = tpu.memref_squeeze %dma_wait3A_53 : memref<1x67584xf32, #tpu.memory_space<hbm>> -> memref<67584xf32, #tpu.memory_space<hbm>>
      %dma_wait3A_55 = arith.constant 0 : i32
      %dma_wait3A_56 = tpu.memref_slice %arg6[%add3A, %dma_wait3A_55] : memref<32x67584xf32, #tpu.memory_space<hbm>> -> memref<1x67584xf32, #tpu.memory_space<hbm>>
      %dma_wait3A_57 = tpu.memref_squeeze %dma_wait3A_56 : memref<1x67584xf32, #tpu.memory_space<hbm>> -> memref<67584xf32, #tpu.memory_space<hbm>>
      tpu.wait_dma2 semaphore(%run_scoped3A : memref<!tpu.dma_semaphore, #tpu.memory_space<semaphore_mem>>) src(%arg11 : memref<67584xf32, #tpu.memory_space<vmem>>) dst(%dma_wait3A_57 : memref<67584xf32, #tpu.memory_space<hbm>>)
      tpu.yield
    }) : () -> ()
    "tpu.region"() ({
      %run_scoped3A = tpu.sem_alloc : memref<!tpu.dma_semaphore, #tpu.memory_space<semaphore_mem>>
      %dma_start3A = arith.constant 0 : i32
      %dma_start3A_48 = tpu.memref_slice %arg7[%add3A, %dma_start3A] : memref<32x8448xf32, #tpu.memory_space<hbm>> -> memref<1x8448xf32, #tpu.memory_space<hbm>>
      %dma_start3A_49 = tpu.memref_squeeze %dma_start3A_48 : memref<1x8448xf32, #tpu.memory_space<hbm>> -> memref<8448xf32, #tpu.memory_space<hbm>>
      %dma_start3A_50 = arith.constant 0 : i32
      %dma_start3A_51 = tpu.memref_slice %arg7[%add3A, %dma_start3A_50] : memref<32x8448xf32, #tpu.memory_space<hbm>> -> memref<1x8448xf32, #tpu.memory_space<hbm>>
      %dma_start3A_52 = tpu.memref_squeeze %dma_start3A_51 : memref<1x8448xf32, #tpu.memory_space<hbm>> -> memref<8448xf32, #tpu.memory_space<hbm>>
      tpu.enqueue_dma source(%arg12 : memref<8448xf32, #tpu.memory_space<vmem>>) target(%dma_start3A_52 : memref<8448xf32, #tpu.memory_space<hbm>>) target_semaphore(%run_scoped3A : memref<!tpu.dma_semaphore, #tpu.memory_space<semaphore_mem>>)
      %dma_wait3A = arith.constant 0 : i32
      %dma_wait3A_53 = tpu.memref_slice %arg7[%add3A, %dma_wait3A] : memref<32x8448xf32, #tpu.memory_space<hbm>> -> memref<1x8448xf32, #tpu.memory_space<hbm>>
      %dma_wait3A_54 = tpu.memref_squeeze %dma_wait3A_53 : memref<1x8448xf32, #tpu.memory_space<hbm>> -> memref<8448xf32, #tpu.memory_space<hbm>>
      %dma_wait3A_55 = arith.constant 0 : i32
      %dma_wait3A_56 = tpu.memref_slice %arg7[%add3A, %dma_wait3A_55] : memref<32x8448xf32, #tpu.memory_space<hbm>> -> memref<1x8448xf32, #tpu.memory_space<hbm>>
      %dma_wait3A_57 = tpu.memref_squeeze %dma_wait3A_56 : memref<1x8448xf32, #tpu.memory_space<hbm>> -> memref<8448xf32, #tpu.memory_space<hbm>>
      tpu.wait_dma2 semaphore(%run_scoped3A : memref<!tpu.dma_semaphore, #tpu.memory_space<semaphore_mem>>) src(%arg12 : memref<8448xf32, #tpu.memory_space<vmem>>) dst(%dma_wait3A_57 : memref<8448xf32, #tpu.memory_space<hbm>>)
      tpu.yield
    }) : () -> ()
    return
  }
}

module attributes {stable_mosaic.version = 14 : i64} {
  func.func @_score_body(%arg0: i32, %arg1: memref<2000x128xf32, #tpu.memory_space<vmem>>, %arg2: memref<128x64xf32, #tpu.memory_space<vmem>>, %arg3: memref<1x64xf32, #tpu.memory_space<vmem>>, %arg4: memref<64x1xf32, #tpu.memory_space<vmem>>, %arg5: memref<1x1xf32, #tpu.memory_space<vmem>>, %arg6: memref<2000x16xf32, #tpu.memory_space<vmem>>) attributes {dimension_semantics = [#tpu.dimension_semantics<arbitrary>], iteration_bounds = array<i64: 50>, scalar_prefetch = 0 : i64, scratch_operands = 0 : i64, tpu.core_type = #tpu.core_type<tc>, window_params = [{transform_indices = @transform_0, window_bounds = array<i64: 2000, 128>}, {pipeline_mode = #tpu.pipeline_mode<synchronous>, transform_indices = @transform_1, window_bounds = array<i64: 128, 64>}, {pipeline_mode = #tpu.pipeline_mode<synchronous>, transform_indices = @transform_2, window_bounds = array<i64: 1, 64>}, {pipeline_mode = #tpu.pipeline_mode<synchronous>, transform_indices = @transform_3, window_bounds = array<i64: 64, 1>}, {pipeline_mode = #tpu.pipeline_mode<synchronous>, transform_indices = @transform_4, window_bounds = array<i64: 1, 1>}, {transform_indices = @transform_5, window_bounds = array<i64: 2000, 16>}]} {
    %get3A = arith.constant 0 : index
    %get3A_0 = arith.constant 0 : index
    %get3A_1 = vector.load %arg1[%get3A, %get3A_0] : memref<2000x128xf32, #tpu.memory_space<vmem>>, vector<2000x128xf32>
    %get3A_2 = arith.constant 0 : index
    %get3A_3 = arith.constant 0 : index
    %get3A_4 = vector.load %arg2[%get3A_2, %get3A_3] : memref<128x64xf32, #tpu.memory_space<vmem>>, vector<128x64xf32>
    %dot_general3A = arith.constant dense<0.000000e+00> : vector<2000x64xf32>
    %dot_general3A_5 = tpu.matmul %get3A_1, %get3A_4, %dot_general3A {dimension_numbers = #tpu.dot_dimension_numbers<[1], [0], [0], [1], [0, 0, 1, 1], [], []>, transpose_lhs_hint = false} : vector<2000x128xf32>, vector<128x64xf32>, vector<2000x64xf32> -> vector<2000x64xf32>
    %get3A_6 = arith.constant 0 : index
    %get3A_7 = arith.constant 0 : index
    %get3A_8 = vector.load %arg3[%get3A_6, %get3A_7] : memref<1x64xf32, #tpu.memory_space<vmem>>, vector<1x64xf32>
    %add3A = vector.broadcast %get3A_8 : vector<1x64xf32> to vector<2000x64xf32>
    %add3A_9 = arith.addf %dot_general3A_5, %add3A : vector<2000x64xf32>
    %tanh3A = math.tanh %add3A_9 : vector<2000x64xf32>
    %get3A_10 = arith.constant 0 : index
    %get3A_11 = arith.constant 0 : index
    %get3A_12 = vector.load %arg4[%get3A_10, %get3A_11] : memref<64x1xf32, #tpu.memory_space<vmem>>, vector<64x1xf32>
    %dot_general3A_13 = arith.constant dense<0.000000e+00> : vector<2000x1xf32>
    %dot_general3A_14 = tpu.matmul %tanh3A, %get3A_12, %dot_general3A_13 {dimension_numbers = #tpu.dot_dimension_numbers<[1], [0], [0], [1], [0, 0, 1, 1], [], []>, transpose_lhs_hint = false} : vector<2000x64xf32>, vector<64x1xf32>, vector<2000x1xf32> -> vector<2000x1xf32>
    %get3A_15 = arith.constant 0 : index
    %get3A_16 = arith.constant 0 : index
    %get3A_17 = vector.load %arg4[%get3A_15, %get3A_16] : memref<64x1xf32, #tpu.memory_space<vmem>>, vector<64x1xf32>
    %abs3A = math.absf %get3A_17 : vector<64x1xf32>
    %reduce_sum3A = vector.shape_cast %abs3A : vector<64x1xf32> to vector<1x64x1xf32>
    %reduce_sum3A_18 = arith.constant dense<0.000000e+00> : vector<1xf32>
    %reduce_sum3A_19 = vector.multi_reduction <add>, %reduce_sum3A, %reduce_sum3A_18 [1, 2] : vector<1x64x1xf32> to vector<1xf32>
    %reduce_sum3A_20 = vector.shape_cast %reduce_sum3A_19 : vector<1xf32> to vector<1x1x1xf32>
    %reduce_sum3A_21 = vector.extract %reduce_sum3A_20[0, 0, 0] : f32 from vector<1x1x1xf32>
    %get3A_22 = arith.constant 0 : index
    %get3A_23 = arith.constant 0 : index
    %get3A_24 = vector.load %arg5[%get3A_22, %get3A_23] : memref<1x1xf32, #tpu.memory_space<vmem>>, vector<1x1xf32>
    %get3A_25 = vector.extract %get3A_24[0, 0] : f32 from vector<1x1xf32>
    %abs3A_26 = math.absf %get3A_25 : f32
    %add3A_27 = arith.addf %reduce_sum3A_21, %abs3A_26 : f32
    %get3A_28 = arith.constant 0 : index
    %get3A_29 = arith.constant 0 : index
    %get3A_30 = vector.load %arg5[%get3A_28, %get3A_29] : memref<1x1xf32, #tpu.memory_space<vmem>>, vector<1x1xf32>
    %get3A_31 = vector.extract %get3A_30[0, 0] : f32 from vector<1x1xf32>
    %sub3A = arith.subf %get3A_31, %add3A_27 : f32
    %add3A_32 = vector.broadcast %sub3A : f32 to vector<2000x1xf32>
    %add3A_33 = arith.addf %dot_general3A_14, %add3A_32 : vector<2000x1xf32>
    %exp3A = math.exp %add3A_33 : vector<2000x1xf32>
    %broadcast_in_dim3A = vector.shape_cast %exp3A : vector<2000x1xf32> to vector<2000x1xf32>
    %broadcast_in_dim3A_34 = vector.broadcast %broadcast_in_dim3A : vector<2000x1xf32> to vector<2000x16xf32>
    %swap3A = arith.constant 0 : index
    %swap3A_35 = arith.constant 0 : index
    %swap3A_36 = vector.load %arg6[%swap3A, %swap3A_35] : memref<2000x16xf32, #tpu.memory_space<vmem>>, vector<2000x16xf32>
    tpu.vector_store %arg6[%swap3A, %swap3A_35], %broadcast_in_dim3A_34 {strides = array<i32>} : memref<2000x16xf32, #tpu.memory_space<vmem>>, vector<2000x16xf32>,
    return
  }
  func.func @transform_0(%arg0: i32) -> (i32, i32) {
    %c0_i32 = arith.constant 0 : i32
    %c0_i32_0 = arith.constant 0 : i32
    return %arg0, %c0_i32 : i32, i32
  }
  func.func @transform_1(%arg0: i32) -> (i32, i32) {
    %c0_i32 = arith.constant 0 : i32
    %c0_i32_0 = arith.constant 0 : i32
    %c0_i32_1 = arith.constant 0 : i32
    return %c0_i32, %c0_i32_0 : i32, i32
  }
  func.func @transform_2(%arg0: i32) -> (i32, i32) {
    %c0_i32 = arith.constant 0 : i32
    %c0_i32_0 = arith.constant 0 : i32
    %c0_i32_1 = arith.constant 0 : i32
    return %c0_i32, %c0_i32_0 : i32, i32
  }
  func.func @transform_3(%arg0: i32) -> (i32, i32) {
    %c0_i32 = arith.constant 0 : i32
    %c0_i32_0 = arith.constant 0 : i32
    %c0_i32_1 = arith.constant 0 : i32
    return %c0_i32, %c0_i32_0 : i32, i32
  }
  func.func @transform_4(%arg0: i32) -> (i32, i32) {
    %c0_i32 = arith.constant 0 : i32
    %c0_i32_0 = arith.constant 0 : i32
    %c0_i32_1 = arith.constant 0 : i32
    return %c0_i32, %c0_i32_0 : i32, i32
  }
  func.func @transform_5(%arg0: i32) -> (i32, i32) {
    %c0_i32 = arith.constant 0 : i32
    %c0_i32_0 = arith.constant 0 : i32
    return %arg0, %c0_i32 : i32, i32
  }
}

module attributes {stable_mosaic.version = 14 : i64} {
  func.func @_combine_body(%arg0: i32, %arg1: memref<32x64x128xf32, #tpu.memory_space<vmem>>, %arg2: memref<32x64x16xf32, #tpu.memory_space<vmem>>, %arg3: memref<64x128xf32, #tpu.memory_space<vmem>>) attributes {dimension_semantics = [#tpu.dimension_semantics<arbitrary>], iteration_bounds = array<i64: 8>, scalar_prefetch = 0 : i64, scratch_operands = 0 : i64, tpu.core_type = #tpu.core_type<tc>, window_params = [{transform_indices = @transform_0, window_bounds = array<i64: 32, 64, 128>}, {transform_indices = @transform_1, window_bounds = array<i64: 32, 64, 16>}, {transform_indices = @transform_2, window_bounds = array<i64: 64, 128>}]} {
    %get3A = arith.constant 0 : index
    %get3A_0 = arith.constant 0 : index
    %get3A_1 = arith.constant 0 : index
    %get3A_2 = vector.load %arg1[%get3A, %get3A_0, %get3A_1] : memref<32x64x128xf32, #tpu.memory_space<vmem>>, vector<32x64x128xf32>
    %reduce_sum3A = arith.constant dense<0.000000e+00> : vector<64x128xf32>
    %reduce_sum3A_3 = vector.multi_reduction <add>, %get3A_2, %reduce_sum3A [0] : vector<32x64x128xf32> to vector<64x128xf32>
    %get3A_4 = arith.constant 0 : index
    %get3A_5 = arith.constant 0 : index
    %get3A_6 = arith.constant 0 : index
    %get3A_7 = vector.load %arg2[%get3A_4, %get3A_5, %get3A_6] : memref<32x64x16xf32, #tpu.memory_space<vmem>>, vector<32x64x16xf32>
    %reduce_sum3A_8 = arith.constant dense<0.000000e+00> : vector<64x16xf32>
    %reduce_sum3A_9 = vector.multi_reduction <add>, %get3A_7, %reduce_sum3A_8 [0] : vector<32x64x16xf32> to vector<64x16xf32>
    %slice3A = vector.extract_strided_slice %reduce_sum3A_9 {offsets = [0, 0], sizes = [64, 1], strides = [1, 1]} : vector<64x16xf32> to vector<64x1xf32>
    %eq3A = arith.constant 0.000000e+00 : f32
    %eq3A_10 = vector.broadcast %eq3A : f32 to vector<64x1xf32>
    %eq3A_11 = arith.cmpf oeq, %slice3A, %eq3A_10 : vector<64x1xf32>
    %jit3A = arith.constant 1.000000e+00 : f32
    %broadcast_in_dim3A = vector.broadcast %jit3A : f32 to vector<64x1xf32>
    %select_n3A = arith.select %eq3A_11, %broadcast_in_dim3A, %slice3A : vector<64x1xi1>, vector<64x1xf32>
    %div3A = vector.broadcast %select_n3A : vector<64x1xf32> to vector<64x128xf32>
    %div3A_12 = arith.divf %reduce_sum3A_3, %div3A : vector<64x128xf32>
    %swap3A = arith.constant 0 : index
    %swap3A_13 = arith.constant 0 : index
    %swap3A_14 = vector.load %arg3[%swap3A, %swap3A_13] : memref<64x128xf32, #tpu.memory_space<vmem>>, vector<64x128xf32>
    tpu.vector_store %arg3[%swap3A, %swap3A_13], %div3A_12 {strides = array<i32>} : memref<64x128xf32, #tpu.memory_space<vmem>>, vector<64x128xf32>,
    return
  }
  func.func @transform_0(%arg0: i32) -> (i32, i32, i32) {
    %c0_i32 = arith.constant 0 : i32
    %c0_i32_0 = arith.constant 0 : i32
    %c0_i32_1 = arith.constant 0 : i32
    return %c0_i32, %arg0, %c0_i32_0 : i32, i32, i32
  }
  func.func @transform_1(%arg0: i32) -> (i32, i32, i32) {
    %c0_i32 = arith.constant 0 : i32
    %c0_i32_0 = arith.constant 0 : i32
    %c0_i32_1 = arith.constant 0 : i32
    return %c0_i32, %arg0, %c0_i32_0 : i32, i32, i32
  }
  func.func @transform_2(%arg0: i32) -> (i32, i32) {
    %c0_i32 = arith.constant 0 : i32
    %c0_i32_0 = arith.constant 0 : i32
    return %arg0, %c0_i32 : i32, i32
  }
}

</mosaic_0001>

<sc_bundles>
// kernel: kernel.5.cloned.1.call-start
scs
__scs_entry_jumppad:
0x0: {  	(pc) =	sbr.rel $0x88, $3  }
0x1: {  	(tag) =	ssettag $0x0;
	lr =	simm.s32 $0x1  }
0x2: {  	[smem:$0x3F9B] =	sst lr;
	_ =	strace $0xD0000000  }
0x3: {  	_ = 	snop  }
0x4: {  	_ = 	snop  }
0x5: {  	_ = 	snop  }
0x6: {  	_ = 	snop  }
0x7: {  	_ = 	snop  }
__scs_overlays_trampoline_lowered:
0x8: {  	[smem:$0x3FAA] =	sst s0  }
0x9: {  	[smem:$0x3FAB] =	sst s1  }
0xa: {  	[smem:$0x3FAC] =	sst s2  }
0xb: {  	[smem:$0x3FAD] =	sst s3  }
0xc: {  	[smem:$0x3FAE] =	sst s4  }
0xd: {  	[smem:$0x3FAF] =	sst s5  }
0xe: {  	[smem:$0x3FB0] =	sst s6  }
0xf: {  	[smem:$0x3FB1] =	sst s7  }
0x10: {  	[smem:$0x3FB2] =	sst s8  }
0x11: {  	[smem:$0x3FB3] =	sst s9;
	s0 =	simm.s32 @!p0 $0x0  }
0x12: {  	s1 =	sld [smem:$0x3F99];
	s0 =	simm.s32 @p0 $0x1  }
0x13: {  	[smem:$0x3FB4] =	sst s0;
	s0 =	simm.s32 @!p1 $0x0  }
0x14: {  	s2 =	sld [smem:$0x3F98];
	s0 =	simm.s32 @p1 $0x1  }
0x15: {  	[smem:$0x3FB5] =	sst s0;
	s0 =	simm.s32 @!p2 $0x0  }
0x16: {  	s3 =	sld [smem:$0x3FDB];
	s0 =	simm.s32 @p2 $0x1  }
0x17: {  	s4 =	simm.s32 $0x1BF5;
	[smem:$0x3FB7] =	sst s0  }
0x18: {  	s0 =	sld [smem:$0x3F9A];
	_ =	swait.ge [sflag:s4], $0x0  }
0x19: {  	s7 =	sld [smem:$0x3F9B]  }
0x1a: {  	s8 =	sadd.s32 $0xFFFFE003, lr  }
0x1b: {  	s9 =	sadd.s32 $0xFFFFFEF7, lr;
	s5 =	simm.s32 $0xFFFFFFFF;
	p2 =	slt.u32 s8, $0xFFFFF086  }
0x1c: {  	p1 =	slt.u32 s9, $0xF7A;
	s5 =	simm.s32 @!p2 $0x0  }
0x1d: {  	s5 =	simm.s32 @p1 $0x1;
	p0 =	seq.s32 s7, s2  }
0x1e: {  	s7 =	smul.u32 @!p0 $0xF7A, s2;
	p2 =	seq.s32 @!p0 s5, $0x0  }
0x1f: {  	s9 =	smul.u32 $0xF7A, s1;
	s8 =	simm.s32 @!p0 $0x1BF5;
	p2 =	por !p2, p0  }
0x20: {  	[sflag:s8] =	ssyncset.s32 @!p0 $0xFFFFF086;
	s6 =	sadd.s32 @!p0 s3, s7;
	s7 =	simm.s32 @!p0 $0x108  }
0x21: {  	s3 =	sadd.s32 s3, s9;
	s6 =	sadd.s32 @!p0 $0x88, s6;
	s7 =	simm.s32 @p2 $0x1082  }
0x22: {  	[simem:s7], [sflag:s8] =	dma.local @!p0 [hbm:s6], $0xF7A  }
0x23: {  	s9 =	sor.u32 $0xD0000000, s2;
	s6 =	simm.s32 $0x108;
	_ =	swait.ge @!p0 [sflag:s8], $0x0  }
0x24: {  	s3 =	sadd.s32 $0x88, s3;
	s6 =	simm.s32 @!p1 $0x1082;
	[sflag:s4] =	ssyncset.s32 $0xFFFFF086  }
0x25: {  	[simem:s6], [sflag:s4] =	dma.local [hbm:s3], $0xF7A  }
0x26: {  	[smem:$0x3F9B] =	sst s1;
	(tag) =	ssettag s2;
	_ =	strace s9  }
0x27: {  	s1 =	sld [smem:$0x3FAB]  }
0x28: {  	s2 =	sld [smem:$0x3FAC]  }
0x29: {  	s4 =	sld [smem:$0x3FAE]  }
0x2a: {  	p0 =	seq.s32 s5, $0x0;
	s5 =	sld [smem:$0x3FAF]  }
0x2b: {  	s6 =	sld [smem:$0x3FB0]  }
0x2c: {  	s7 =	sld [smem:$0x3FB1]  }
0x2d: {  	s3 =	simm.s32 $0x108;
	s8 =	sld [smem:$0x3FB2]  }
0x2e: {  	s3 =	simm.s32 @!p0 $0x1082;
	s9 =	sld [smem:$0x3FB3]  }
0x2f: {  	lr =	sadd.s32 s0, s3;
	s0 =	sld [smem:$0x3FAA]  }
0x30: {  	s3 =	sld [smem:$0x3FAD]  }
0x31: {  	[smem:$0x3FB6] =	sst s10  }
0x32: {  	s10 =	sld [smem:$0x3FB4];
	_ =	sdelay $0x3  }
0x33: {  	p0 =	seq.s32 s10, $0x1;
	s10 =	sld [smem:$0x3FB6];
	_ =	sdelay $0x3  }
0x34: {  	[smem:$0x3FB6] =	sst s10  }
0x35: {  	s10 =	sld [smem:$0x3FB5];
	_ =	sdelay $0x3  }
0x36: {  	p1 =	seq.s32 s10, $0x1;
	s10 =	sld [smem:$0x3FB6];
	_ =	sdelay $0x3  }
0x37: {  	[smem:$0x3FB6] =	sst s10  }
0x38: {  	s10 =	sld [smem:$0x3FB7]  }
0x39: {  	_ = 	snop;
	(pc) =	sbr.ind lr, $3  }
0x3a: {  	_ = 	snop  }
0x3b: {  	_ = 	snop  }
0x3c: {  	p2 =	seq.s32 s10, $0x1;
	s10 =	sld [smem:$0x3FB6]  }
0x3d: {  	_ =	shalt  }
0x3e: {  	_ =	shalt  }
0x3f: {  	_ =	shalt  }
0x40: {  	_ =	shalt  }
0x41: {  	_ =	shalt  }
0x42: {  	_ =	shalt  }
0x43: {  	_ =	shalt  }
0x44: {  	_ =	shalt  }
0x45: {  	_ =	shalt  }
0x46: {  	_ =	shalt  }
0x47: {  	_ =	shalt  }
0x48: {  	_ =	shalt  }
0x49: {  	_ =	shalt  }
0x4a: {  	_ =	shalt  }
0x4b: {  	_ =	shalt  }
0x4c: {  	_ =	shalt  }
0x4d: {  	_ =	shalt  }
0x4e: {  	_ =	shalt  }
0x4f: {  	_ =	shalt  }
0x50: {  	_ =	shalt  }
0x51: {  	_ =	shalt  }
0x52: {  	_ =	shalt  }
0x53: {  	_ =	shalt  }
0x54: {  	_ =	shalt  }
0x55: {  	_ =	shalt  }
0x56: {  	_ =	shalt  }
0x57: {  	_ =	shalt  }
0x58: {  	_ =	shalt  }
0x59: {  	_ =	shalt  }
0x5a: {  	_ =	shalt  }
0x5b: {  	_ =	shalt  }
0x5c: {  	_ =	shalt  }
0x5d: {  	_ =	shalt  }
0x5e: {  	_ =	shalt  }
0x5f: {  	_ =	shalt  }
0x60: {  	_ =	shalt  }
0x61: {  	_ =	shalt  }
0x62: {  	_ =	shalt  }
0x63: {  	_ =	shalt  }
0x64: {  	_ =	shalt  }
0x65: {  	_ =	shalt  }
0x66: {  	_ =	shalt  }
0x67: {  	_ =	shalt  }
0x68: {  	_ =	shalt  }
0x69: {  	_ =	shalt  }
0x6a: {  	_ =	shalt  }
0x6b: {  	_ =	shalt  }
0x6c: {  	_ =	shalt  }
0x6d: {  	_ =	shalt  }
0x6e: {  	_ =	shalt  }
0x6f: {  	_ =	shalt  }
0x70: {  	_ =	shalt  }
0x71: {  	_ =	shalt  }
0x72: {  	_ =	shalt  }
0x73: {  	_ =	shalt  }
0x74: {  	_ =	shalt  }
0x75: {  	_ =	shalt  }
0x76: {  	_ =	shalt  }
0x77: {  	_ =	shalt  }
0x78: {  	_ =	shalt  }
0x79: {  	_ =	shalt  }
0x7a: {  	_ =	shalt  }
0x7b: {  	_ =	shalt  }
0x7c: {  	_ =	shalt  }
0x7d: {  	_ =	shalt  }
0x7e: {  	_ =	shalt  }
0x7f: {  	_ =	shalt  }
0x80: {  	_ =	shalt  }
0x81: {  	_ =	shalt  }
0x82: {  	_ =	shalt  }
0x83: {  	_ =	shalt  }
0x84: {  	_ =	shalt  }
0x85: {  	_ =	shalt  }
0x86: {  	_ =	shalt  }
0x87: {  	_ =	shalt  }
.Lfunc_end0:
.L_simem_size_0:
called_computation_lowered:
.L_overlay_start_0:
0x88: {  	s2 =	sld [smem:$0x3FD9]  }
0x89: {  	s3 =	sld [smem:$0x3FFE];
	_ =	sdelay $0x1  }
0x8a: {  	s1 =	srdreg.scid  }
0x8b: {  	s0 =	sand.u32 $0x1, s1  }
0x8c: {  	s17 =	sshll.u32 s0, $0xA;
	s2 =	sadd.s32 s3, s2  }
0x8d: {  	s2 =	sadd.s32 s2, s17  }
0x8e: {  	[smem:$0x3FC2] =	sst s2  }
0x8f: {  	_ = 	snop  }
0x90: {  	s2 =	sld [smem:$0x3FC9]  }
0x91: {  	s18 =	sld [smem:$0x3FD0];
	(tm) =	ssettm $0x1  }
0x92: {  	s4 =	sld [smem:$0x3FFB];
	_ =	sdelay $0x3  }
0x93: {  	_ =	strace s4  }
0x94: {  	s4 =	sld [smem:$0x3FFC];
	_ =	sdelay $0x3  }
0x95: {  	_ =	strace s4  }
0x96: {  	s4 =	sld [smem:$0x3FFD];
	_ =	sdelay $0x3  }
0x97: {  	_ =	strace s4  }
0x98: {  	_ =	strace $0x8FFFFFFF  }
0x99: {  	s19 =	sld [smem:$0x3FDB];
	_ =	sdelay $0x1  }
0x9a: {  	s5 =	simm.s32 $_scs_section_size  }
0x9b: {  	s6 =	simm.s32 $_size__tile_overlayer_lowered;
	s7 =	simm.s32 $_tile_overlayer_lowered  }
0x9c: {  	s22 =	simm.s32 $0x1BFF;
	s21 =	sshll.u32 s7, $0x1;
	s4 =	sadd.s32 s5, s19  }
0x9d: {  	s8 =	simm.s32 $0x0;
	s20 =	sshll.u32 s6, $0x1;
	s6 =	sadd.s32 s21, s4  }
0x9e: {  	[timem:s8], [sflag:s22] =	dma.local [hbm:s6], s20  }
0x9f: {  	_ =	swait.ge [sflag:s22], s20  }
0xa0: {  	s5 =	ssub.s32 $0x0, s20;
	[sflag:s22] =	ssyncset.done $0x0  }
0xa1: {  	[sflag:s22] =	ssyncadd.s32 s5;
	_ =	sdelay $0x1  }
0xa2: {  	s23 =	simm.s32 $0x1B8B  }
0xa3: {  	_ =	swait.ge [sflag:s23], $0x1  }
0xa4: {  	[sflag:s23] =	ssyncset.done $0x0  }
0xa5: {  	s25 =	simm.s32 $0x1B8E;
	s24 =	sld [smem:$0x3FFE];
	[sflag:s23] =	ssyncadd.s32 $0xFFFFFFFF  }
0xa6: {  	s26 =	simm.s32 $execute0_lowered;
	[smem:$0x3FD2] =	sst s25  }
0xa7: {  	s6 =	sshll.u32 s26, $0x1;
	_ =	strace $0x80000046;
	[dreg:$0x1] =	wrdreg $0xFFFFFFFF  }
0xa8: {  	s28 =	simm.s32 $_size_execute0_lowered;
	s4 =	sadd.s32 s4, s6;
	[dreg:$0x0] =	wrdreg $0x0  }
0xa9: {  	s6 =	sshll.u32 s28, $0x1;
	[dreg:$0x2] =	wrdreg s4  }
0xaa: {  	[dreg:$0x3] =	wrdreg s6  }
0xab: {  	[dreg:$0x4] =	wrdreg $0xC0  }
0xac: {  	_ =	task [dreg:s8], $0x5FFFF  }
0xad: {  	[dreg:$0x1] =	wrdreg $0xFFFFFFFF  }
0xae: {  	[dreg:$0x0] =	wrdreg $0x60  }
0xaf: {  	[dreg:$0x2] =	wrdreg s2  }
0xb0: {  	[dreg:$0x3] =	wrdreg s24  }
0xb1: {  	[dreg:$0x4] =	wrdreg s18  }
0xb2: {  	[dreg:$0x5] =	wrdreg $0x9  }
0xb3: {  	_ =	task.clear_ibuf [dreg:s8], $0x6FFFF;
	_ =	strace $0x90000046  }
0xb4: {  	s29 =	simm.s32 $0x9;
	_ =	strace $0x80000048  }
0xb5: {  	_ =	swait.ge [sflag:s29], $0x1  }
0xb6: {  	[sflag:s29] =	ssyncadd.s32 $0xFFFFFFFF  }
0xb7: {  	_ =	strace $0x90000048  }
0xb8: {  	_ =	sfence  }
0xb9: {  	s30 =	sld [smem:$0x0];
	_ =	sdelay $0x2  }
0xba: {  	s31 =	sshll.u32 s1, $0xD;
	s1 =	sshrl.u32 s1, $0x2  }
0xbb: {  	s3 =	sand.u32 $0x4000, s31;
	s1 =	sadd.s32 s1, s30  }
0xbc: {  	s0 =	sor.u32 s3, s0;
	s1 =	sshll.u32 s1, $0x11  }
0xbd: {  	s0 =	sor.u32 s1, s0  }
0xbe: {  	s0 =	sadd.s32 $0x8F2B, s0  }
0xbf: {  	[sflag:s0] =	ssyncadd.remote.s32 $0x1  }
0xc0: {  	_ =	sfence.sel $0xFFFF  }
0xc1: {  	[dreg:$0x0] =	wrdreg $0xFFFFFFFF;
	(pc) =	sbr.abs _section_cstart, $3  }
0xc2: {  	[dreg:$0x1] =	wrdreg $0xFFFFFFFF  }
0xc3: {  	_ =	task.clear_ibuf [dreg:s8], $0x2FFFF;
	_ =	strace $0x9FFFFFFF  }
0xc4: {  	(tm) =	ssettm $0x7FFFFFFF  }
0xc5: {  	_ =	shalt  }
tec
execute0_lowered:
.L_overlay_start_1:
0x0: {  	(tag) =	ssettag $0x1  }
0x1: {  	s1 =	rddreg [dreg:$0x0]  }
0x2: {  	s0 =	rddreg [dreg:$0x1];
	s5 =	simm.s32 $0x0;
	s2 =	srdreg.scid  }
0x3: {  	s4 =	stileid.u32;
	s11 =	simm.s32 $0x1;
	s13 =	simm.s32 $0x6400  }
0x4: {  	s14 =	simm.s32 $0x7080;
	s15 =	simm.s32 $0x80;
	s16 =	simm.s32 $0x400  }
0x5: {  	s18 =	simm.s32 $0x18500;
	s19 =	simm.s32 $0x0;
	s26 =	simm.s32 $0x0  }
0x6: {  	s2 =	sand.u32 $0x1, s2;
	s3 =	sshll.u32 s4, $0x1;
	s4 =	sshrl.u32 s4, $0x2  }
0x7: {  	[smem:$0x7FF] =	sst s5;
	s5 =	sadd.s32 $0x187600, s0;
	s3 =	sor.u32 s2, s3  }
0x8: {  	s7 =	smul.u32 $0x84000, s4;
	_ =	strace $0x80000047;
	s2 =	ssub.s32 $0x2, s2  }
0x9: {  	s4 =	smul.u32 $0x10800, s4;
	s6 =	sshll.u32 s3, $0x7;
	s31 =	sshrl.u32 s2, $0x1  }
.Ltmp0:
0xa: {  	s3 =	sshll.u32 s3, $0x5;
	s8 =	sand.u32 $0x380, s6;
	(pc) =	sbr.rel .LBB2_1-.Ltmp0, $4  }
0xb: {  	s6 =	sadd.s32 $0x1B8400, s0;
	s7 =	sor.u32 s7, s8;
	s4 =	sor.u32 s4, s8  }
0xc: {  	s2 =	ssub.s32 s2, s31;
	s7 =	sshrl.u32 s7, $0x3;
	s4 =	sshrl.u32 s4, $0x3  }
0xd: {  	s12 =	sshrl.u32 s3, $0x2;
	s7 =	sadd.s32 s7, s0;
	s0 =	sadd.s32 s4, s0  }
0xe: {  	v0 =	vimm.f32 $0.0e+00;
	s9 =	smax.u32 s2, $0x1;
	s7 =	sadd.s32 $0x9000, s7;
	s8 =	sadd.s32 $0xC00, s0  }
.LBB2_12:
0xf: {  	s0 =	simm.s32 $0x7D00  }
0x10: {  	[hbm4b:s7+s15] =	stream.strided.scatter [tilespmem:s0], [sflag:$0x1], $0x10800, s16, s15, $0x38;
	[tilespmem:$0x1A700] =	vst v63  }
0x11: {  	s19 =	sadd.s32 $0x1, s19;
	_ =	swait.ge [sflag:s11], $0x10800  }
0x12: {  	p0 =	sne.s32 s19, s9;
	[sflag:s11] =	ssyncset.done $0x0  }
.Ltmp1:
0x13: {  	[sflag:s11] =	ssyncadd.s32 $0xFFFEF800;
	(pc) =	sbr.rel @!p0 .LBB2_13-.Ltmp1, $4  }
0x14: {  	[hbm4b:s8+s15] =	stream.strided.scatter [tilespmem:s18], [sflag:$0x1], $0x2100, s16, s15, $0x38;
	[tilespmem:$0x1A700] =	vst v63  }
0x15: {  	_ =	swait.ge [sflag:s11], $0x2100  }
0x16: {  	[sflag:s11] =	ssyncset.done $0x0  }
0x17: {  	[sflag:s11] =	ssyncadd.s32 $0xFFFFDF00  }
.LBB2_1:
0x18: {  	s0 =	rddreg [dreg:$0x2];
	s2 =	simm.s32 $0x0;
	s3 =	simm.s32 $0x1A600  }
0x19: {  	[tilespmem:s3], [sflag:$0x1] =	stream.linear.gather [hbm4b:s0+s2], $0x100, $0x38;
	[tilespmem:$0x1A700] =	vst v63  }
0x1a: {  	_ =	swait.ge [sflag:s11], $0x100  }
0x1b: {  	[sflag:s11] =	ssyncset.done $0x0  }
0x1c: {  	[sflag:s11] =	ssyncadd.s32 $0xFFFFFF00  }
0x1d: {  	s0 =	simm.s32 $0x0;
	v1 =	vld [tilespmem:s12+$0x1A600]  }
.LBB2_2:
0x1e: {  	p0 =	seq.s32 s0, $0x41FC0  }
.Ltmp2:
0x1f: {  	_ = 	snop;
	(pc) =	sbr.rel @!p0 .LBB2_2-.Ltmp2, $3  }
0x20: {  	_ =	sdelay $0x1  }
0x21: {  	s2 =	sshra.s32 s0, $0x2  }
0x22: {  	s0 =	sadd.s32 $0x40, s0;
	[tilespmem:s2+$0x7D00] =	vst v0  }
0x23: {  	s0 =	simm.s32 $0x40;
	s2 =	simm.s32 $0x0  }
.LBB2_4:
0x24: {  	p0 =	seq.s32 s0, $0x83C0;
	[tilespmem:s2+$0x18500] =	vst v0;
	s2 =	smov.u32 s0;
	s0 =	sadd.s32 $0x40, s0  }
.Ltmp3:
0x25: {  	(pc) =	sbr.rel @!p0 .LBB2_4-.Ltmp3, $2  }
0x26: {  	_ =	sdelay $0x2  }
0x27: {  	s2 =	sshra.s32 s2, $0x2  }
0x28: {  	(v2sf) =	vpush v1, $0x0  }
0x29: {  	(v2sf) =	vpush v1, $0x1;
	_ =	sdelay $0xd  }
0x2a: {  	s20 =	spop (v2sf)  }
0x2b: {  	s21 =	spop (v2sf)  }
0x2c: {  	s0 =	sadd.s32 $0xC7, s21  }
0x2d: {  	s31 =	smulhi.u32 $0x51EB851F, s0;
	s3 =	sshra.s32 s0, $0x1F  }
0x2e: {  	s3 =	smul.u32 $0x51EB851F, s3;
	_ =	sdelay $0x1  }
0x2f: {  	[tilespmem:s2+$0x18500] =	vst v0;
	s2 =	sadd.s32 s3, s31  }
0x30: {  	s3 =	sshrl.u32 s2, $0x1F;
	s2 =	sshra.s32 s2, $0x6  }
0x31: {  	s2 =	sadd.s32 s3, s2  }
0x32: {  	s3 =	smul.u32 $0xFFFFFF38, s2  }
0x33: {  	s4 =	ssub.s32 $0xFFFFFF39, s21  }
0x34: {  	p0 =	slt.s32 s0, $0x1;
	p1 =	sne.s32 s3, s4  }
0x35: {  	p0 =	por !p0, !p1  }
0x36: {  	s0 =	simm.s32 $0x1;
	p0 =	por !p0, !p0  }
0x37: {  	s0 =	simm.s32 @!p0 $0x0  }
0x38: {  	s22 =	ssub.s32 s2, s0  }
0x39: {  	p0 =	slt.s32 s22, $0x1  }
.Ltmp4:
0x3a: {  	_ = 	snop;
	(pc) =	sbr.rel @p0 .LBB2_12-.Ltmp4, $1  }
0x3b: {  	_ =	sdelay $0x3  }
.Ltmp5:
0x3c: {  	(pc) =	sbr.rel .LBB2_7-.Ltmp5, $4  }
0x3d: {  	_ = 	snop  }
0x3e: {  	s0 =	sshll.u32 s20, $0x6;
	s31 =	sshll.u32 s20, $0x9;
	s28 =	smov.u32 s20  }
0x3f: {  	s29 =	smov.u32 s21;
	s30 =	simm.s32 $0x0;
	s0 =	sshra.s32 s0, $0x2  }
0x40: {  	s25 =	sshra.s32 s31, $0x2;
	s23 =	sadd.s32 $0x7080, s0;
	s24 =	sadd.s32 $0x6400, s0  }
.LBB2_10:
0x41: {  	[tilespmem:s4+$0x18500] =	vst.add.f32.msk $0xffff, v2  }
.LBB2_11:
0x42: {  	s30 =	sadd.s32 $0x1, s30  }
0x43: {  	p0 =	sne.s32 s30, s22  }
.Ltmp6:
0x44: {  	_ = 	snop;
	(pc) =	sbr.rel @!p0 .LBB2_12-.Ltmp6, $3  }
0x45: {  	_ =	sdelay $0x1  }
0x46: {  	s29 =	sadd.s32 $0xFFFFFF38, s29;
	s23 =	sadd.s32 $0xC80, s23  }
0x47: {  	s28 =	sadd.s32 $0xC8, s28;
	s24 =	sadd.s32 $0xC80, s24;
	s25 =	sadd.s32 $0x6400, s25  }
.LBB2_7:
0x48: {  	s0 =	smul.u32 $0xC8, s30;
	_ =	sdelay $0x1  }
0x49: {  	s2 =	sadd.s32 s20, s0  }
0x4a: {  	p0 =	slt.s32 s2, $0x185D8  }
0x4b: {  	s2 =	simm.s32 @!p0 $0x185D8  }
0x4c: {  	s3 =	sshll.u32 s2, $0x4  }
0x4d: {  	s3 =	sand.u32 $0x1FFFFF80, s3  }
0x4e: {  	s3 =	sadd.s32 s1, s3  }
0x4f: {  	[tilespmem:s26], [sflag:$0x1] =	stream.linear.gather [hbm4b:s3+s26], $0x6400, $0x38;
	[tilespmem:$0x1A700] =	vst v63  }
0x50: {  	s2 =	sshll.u32 s2, $0x1;
	_ =	swait.ge [sflag:s11], $0x6400  }
0x51: {  	s2 =	sand.u32 $0x1FFFFFF0, s2;
	[sflag:s11] =	ssyncset.done $0x0  }
0x52: {  	s31 =	sadd.s32 s5, s2;
	[sflag:s11] =	ssyncadd.s32 $0xFFFF9C00  }
0x53: {  	[tilespmem:s13], [sflag:$0x1] =	stream.linear.gather [hbm4b:s31+s26], $0xC80, $0x38;
	[tilespmem:$0x1A700] =	vst v63  }
0x54: {  	s0 =	ssub.s32 s21, s0;
	_ =	swait.ge [sflag:s11], $0xC80  }
0x55: {  	p0 =	slt.s32 s0, $0x1;
	[sflag:s11] =	ssyncset.done $0x0  }
.Ltmp7:
0x56: {  	s2 =	sadd.s32 s6, s2;
	[sflag:s11] =	ssyncadd.s32 $0xFFFFF380;
	(pc) =	sbr.rel @p0 .LBB2_11-.Ltmp7, $4  }
0x57: {  	[tilespmem:s14], [sflag:$0x1] =	stream.linear.gather [hbm4b:s2+s26], $0xC80, $0x38;
	[tilespmem:$0x1A700] =	vst v63  }
0x58: {  	_ =	swait.ge [sflag:s11], $0xC80  }
0x59: {  	[sflag:s11] =	ssyncset.done $0x0  }
0x5a: {  	[sflag:s11] =	ssyncadd.s32 $0xFFFFF380  }
0x5b: {  	p0 =	slt.s32 s28, $0x185D8;
	s0 =	smov.u32 s28  }
0x5c: {  	s0 =	simm.s32 @!p0 $0x185D8  }
0x5d: {  	s2 =	sshll.u32 s0, $0x6  }
0x5e: {  	s2 =	ssub.s32 $0x0, s2  }
0x5f: {  	s2 =	sshra.s32 s2, $0x2  }
0x60: {  	s31 =	sadd.s32 s2, s23  }
0x61: {  	v1 =	vld [tilespmem:s31+$0x0];
	_ =	sdelay $0x4  }
0x62: {  	(v2sf) =	vpush v1, $0x0;
	_ =	sdelay $0x1  }
0x63: {  	s0 =	sshll.u32 s0, $0x9  }
0x64: {  	s0 =	ssub.s32 $0x0, s0  }
0x65: {  	s0 =	sshra.s32 s0, $0x2  }
0x66: {  	s0 =	sadd.s32 s0, s25  }
0x67: {  	v1 =	vmov s0;
	_ =	sdelay $0x2  }
0x68: {  	s0 =	sadd.s32 s2, s24  }
0x69: {  	s3 =	simm.s32 $0x0;
	v2 =	vld [tilespmem:s0+$0x0]  }
0x6a: {  	v3 =	vld.idx.msk [tilespmem:v1+s3+$0x0 ss:$0x1], $0xffff;
	_ =	sdelay $0x3  }
0x6b: {  	s4 =	spop (v2sf)  }
0x6c: {  	v3 =	vmul.f32 v3, v2;
	s17 =	sshll.u32 s4, $0x9  }
0x6d: {  	s10 =	sshra.s32 s17, $0x2  }
0x6e: {  	[tilespmem:s10+$0x7D00] =	vst.add.f32.msk $0xffff, v3  }
0x6f: {  	v3 =	vld.idx.msk [tilespmem:v1+s3+$0x10 ss:$0x1], $0xffff;
	_ =	sdelay $0x4  }
0x70: {  	v3 =	vmul.f32 v3, v2;
	_ =	sdelay $0x1  }
0x71: {  	[tilespmem:s10+$0x7D10] =	vst.add.f32.msk $0xffff, v3  }
0x72: {  	v3 =	vld.idx.msk [tilespmem:v1+s3+$0x20 ss:$0x1], $0xffff;
	_ =	sdelay $0x4  }
0x73: {  	v3 =	vmul.f32 v3, v2;
	_ =	sdelay $0x1  }
0x74: {  	[tilespmem:s10+$0x7D20] =	vst.add.f32.msk $0xffff, v3  }
0x75: {  	v3 =	vld.idx.msk [tilespmem:v1+s3+$0x30 ss:$0x1], $0xffff;
	_ =	sdelay $0x4  }
0x76: {  	v3 =	vmul.f32 v3, v2;
	_ =	sdelay $0x1  }
0x77: {  	[tilespmem:s10+$0x7D30] =	vst.add.f32.msk $0xffff, v3  }
0x78: {  	v3 =	vld.idx.msk [tilespmem:v1+s3+$0x40 ss:$0x1], $0xffff;
	_ =	sdelay $0x4  }
0x79: {  	v3 =	vmul.f32 v3, v2;
	_ =	sdelay $0x1  }
0x7a: {  	[tilespmem:s10+$0x7D40] =	vst.add.f32.msk $0xffff, v3  }
0x7b: {  	v3 =	vld.idx.msk [tilespmem:v1+s3+$0x50 ss:$0x1], $0xffff;
	_ =	sdelay $0x4  }
0x7c: {  	v3 =	vmul.f32 v3, v2;
	_ =	sdelay $0x1  }
0x7d: {  	[tilespmem:s10+$0x7D50] =	vst.add.f32.msk $0xffff, v3  }
0x7e: {  	v3 =	vld.idx.msk [tilespmem:v1+s3+$0x60 ss:$0x1], $0xffff;
	_ =	sdelay $0x4  }
0x7f: {  	v3 =	vmul.f32 v3, v2  }
0x80: {  	p0 =	sgt.s32 s29, $0x1;
	s2 =	smov.u32 s29  }
0x81: {  	s2 =	simm.s32 @!p0 $0x1;
	[tilespmem:s10+$0x7D60] =	vst.add.f32.msk $0xffff, v3  }
0x82: {  	s2 =	smin.u32 s2, $0xC8;
	v3 =	vld.idx.msk [tilespmem:v1+s3+$0x70 ss:$0x1], $0xffff  }
0x83: {  	s2 =	sshll.u32 s2, $0x9  }
0x84: {  	p0 =	sne.s32 s2, $0x200  }
.Ltmp8:
0x85: {  	_ = 	snop;
	(pc) =	sbr.rel @!p0 .LBB2_10-.Ltmp8, $4  }
0x86: {  	_ = 	snop  }
0x87: {  	v3 =	vmul.f32 v3, v2  }
0x88: {  	s4 =	sshll.u32 s4, $0x6  }
0x89: {  	s4 =	sshra.s32 s4, $0x2;
	s3 =	simm.s32 $0x200;
	[tilespmem:s10+$0x7D70] =	vst.add.f32.msk $0xffff, v3  }
.LBB2_9:
0x8a: {  	s31 =	sadd.s32 $0x10, s31  }
0x8b: {  	[tilespmem:s4+$0x18500] =	vst.add.f32.msk $0xffff, v2;
	s0 =	sadd.s32 $0x10, s0;
	s4 =	smov.u32 s3;
	s3 =	sadd.s32 $0x200, s3  }
0x8c: {  	v2 =	vld [tilespmem:s31+$0x0];
	p0 =	sne.s32 s2, s3;
	_ =	sdelay $0x4  }
0x8d: {  	(v2sf) =	vpush v2, $0x0;
	_ =	sdelay $0x8  }
0x8e: {  	s4 =	sshra.s32 s4, $0x2  }
0x8f: {  	v3 =	vld.idx.msk [tilespmem:v1+s4+$0x0 ss:$0x1], $0xffff  }
0x90: {  	v2 =	vld [tilespmem:s0+$0x0];
	_ =	sdelay $0x3  }
0x91: {  	s10 =	spop (v2sf)  }
0x92: {  	v3 =	vmul.f32 v3, v2;
	s17 =	sshll.u32 s10, $0x9;
	s10 =	sshll.u32 s10, $0x6  }
0x93: {  	s17 =	sshra.s32 s17, $0x2  }
0x94: {  	[tilespmem:s17+$0x7D00] =	vst.add.f32.msk $0xffff, v3  }
0x95: {  	v3 =	vld.idx.msk [tilespmem:v1+s4+$0x10 ss:$0x1], $0xffff;
	_ =	sdelay $0x5  }
0x96: {  	v3 =	vmul.f32 v3, v2;
	_ =	sdelay $0x1  }
0x97: {  	[tilespmem:s17+$0x7D10] =	vst.add.f32.msk $0xffff, v3  }
0x98: {  	v3 =	vld.idx.msk [tilespmem:v1+s4+$0x20 ss:$0x1], $0xffff;
	_ =	sdelay $0x5  }
0x99: {  	v3 =	vmul.f32 v3, v2;
	_ =	sdelay $0x1  }
0x9a: {  	[tilespmem:s17+$0x7D20] =	vst.add.f32.msk $0xffff, v3  }
0x9b: {  	v3 =	vld.idx.msk [tilespmem:v1+s4+$0x30 ss:$0x1], $0xffff;
	_ =	sdelay $0x5  }
0x9c: {  	v3 =	vmul.f32 v3, v2;
	_ =	sdelay $0x1  }
0x9d: {  	[tilespmem:s17+$0x7D30] =	vst.add.f32.msk $0xffff, v3  }
0x9e: {  	v3 =	vld.idx.msk [tilespmem:v1+s4+$0x40 ss:$0x1], $0xffff;
	_ =	sdelay $0x5  }
0x9f: {  	v3 =	vmul.f32 v3, v2;
	_ =	sdelay $0x1  }
0xa0: {  	[tilespmem:s17+$0x7D40] =	vst.add.f32.msk $0xffff, v3  }
0xa1: {  	v3 =	vld.idx.msk [tilespmem:v1+s4+$0x50 ss:$0x1], $0xffff;
	_ =	sdelay $0x5  }
0xa2: {  	v3 =	vmul.f32 v3, v2;
	_ =	sdelay $0x1  }
0xa3: {  	[tilespmem:s17+$0x7D50] =	vst.add.f32.msk $0xffff, v3  }
0xa4: {  	v3 =	vld.idx.msk [tilespmem:v1+s4+$0x60 ss:$0x1], $0xffff;
	_ =	sdelay $0x5  }
0xa5: {  	v3 =	vmul.f32 v3, v2;
	_ =	sdelay $0x1  }
0xa6: {  	[tilespmem:s17+$0x7D60] =	vst.add.f32.msk $0xffff, v3  }
0xa7: {  	v3 =	vld.idx.msk [tilespmem:v1+s4+$0x70 ss:$0x1], $0xffff;
	_ =	sdelay $0x3  }
.Ltmp9:
0xa8: {  	(pc) =	sbr.rel @p0 .LBB2_9-.Ltmp9, $3  }
0xa9: {  	_ = 	snop  }
0xaa: {  	v3 =	vmul.f32 v3, v2;
	_ =	sdelay $0x1  }
0xab: {  	s4 =	sshra.s32 s10, $0x2;
	[tilespmem:s17+$0x7D70] =	vst.add.f32.msk $0xffff, v3  }
.Ltmp10:
0xac: {  	_ = 	snop;
	(pc) =	sbr.rel .LBB2_10-.Ltmp10, $1  }
0xad: {  	_ =	sdelay $0x3  }
.LBB2_13:
0xae: {  	_ =	sfence.sel $0x180000  }
0xaf: {  	[bflag:$0x0] =	sbarrier.arrive $0xFFFF  }
0xb0: {  	_ =	strace $0x90000047  }
0xb1: {  	s0 =	stileid.u32;
	[bflag:$0x2] =	sbarrier.arrive $0xFFFF  }
0xb2: {  	p0 =	sne.s32 s0, $0x0;
	s0 =	rddreg [dreg:$0x3]  }
0xb3: {  	s0 =	sadd.s32 @!p0 $0x100000, s0  }
0xb4: {  	[sflag:s0] =	ssyncadd.tile.s32 @!p0 $0x1;
	_ =	shalt  }
.Lfunc_end2:
_tile_overlayer_lowered:
.L_overlay_start_2:
0xb5: {  	(tag) =	ssettag $0x2  }
0xb6: {  	s0 =	rddreg [dreg:$0x0];
	s2 =	stileid.u32  }
0xb7: {  	s1 =	rddreg [dreg:$0x1];
	p0 =	sne.s32 s2, $0x0  }
0xb8: {  	s3 =	rddreg [dreg:$0x2];
	[bflag:$0x3] =	sbarrier.arrive $0xFFFF;
	s2 =	simm.s32 @!p0 $0x1C01  }
0xb9: {  	[timem:s3], [sflag:s2] =	dma.local @!p0 [hbm:s0], s1  }
0xba: {  	s0 =	simm.s32 @!p0 $0x1  }
0xbb: {  	_ =	swait.ge @!p0 [sflag:s0], s1  }
0xbc: {  	s1 =	ssub.s32 @!p0 $0x0, s1;
	[sflag:s0] =	ssyncset.done @!p0 $0x0  }
0xbd: {  	[sflag:s0] =	ssyncadd.s32 @!p0 s1  }
0xbe: {  	[bflag:$0x3] =	sbarrier.arrive $0xFFFF  }
0xbf: {  	_ =	shalt  }

</sc_bundles>
